<compile_context>
chip_gen: v7x
topology: tpu7x:2x2x1
jax: 0.10.2.dev20260603
libtpu: 0.0.44.dev20260713+nightly
codegen_flags: <defaults>
</compile_context>

<pallas_src>
import functools

import jax
import jax.numpy as jnp
from jax import lax
from jax.experimental import pallas as pl
from jax.experimental.pallas import tpu as pltpu
from jax.experimental.pallas import tpu_sc as plsc

N_NODES = 10000
N_PAD = 10240
N_EDGES = 320000
E_PAD = 327680
NTILES = 16
NCORES = 2
ROWS_PER_TILE = N_PAD // NTILES
CHUNK = 128
D = 128
NBUF = 4




def _make_propagate(edge_split, pipelined=True):
  e_per_sc = E_PAD // NCORES if edge_split else E_PAD
  k_chunks = e_per_sc // NTILES // CHUNK
  assert k_chunks % 2 == 0

  mesh = plsc.VectorSubcoreMesh(core_axis_name="c", subcore_axis_name="s")

  @functools.partial(
      pl.kernel,
      mesh=mesh,
      out_type=jax.ShapeDtypeStruct((NCORES, N_PAD, D), jnp.float32),
      scratch_types=[
          pltpu.VMEM((CHUNK,), jnp.int32),
          pltpu.VMEM((CHUNK,), jnp.int32),
          pltpu.VMEM((CHUNK,), jnp.int32),
          pltpu.VMEM((CHUNK,), jnp.int32),
          pltpu.VMEM((CHUNK, D), jnp.float32),
          pltpu.VMEM((CHUNK, D), jnp.float32),
          pltpu.SemaphoreType.DMA,
          pltpu.SemaphoreType.DMA,
          pltpu.SemaphoreType.DMA,
          pltpu.SemaphoreType.DMA,
          pltpu.SemaphoreType.DMA,
          pltpu.SemaphoreType.DMA,
          pltpu.VMEM_SHARED((N_PAD, D), jnp.float32),
      ],
  )
  def k(g_hbm, src1d_hbm, dst1d_hbm, out_hbm, sidx0, sidx1, didx0, didx1,
        rows0, rows1, semsi0, semsi1, semdi0, semdi1, semg0, semg1, acc):
    sidxb = (sidx0, sidx1)
    didxb = (didx0, didx1)
    rows = (rows0, rows1)
    semsi = (semsi0, semsi1)
    semdi = (semdi0, semdi1)
    semg = (semg0, semg1)
    c = lax.axis_index("c")
    s = lax.axis_index("s")
    r0 = s * ROWS_PER_TILE
    e_per_tile = e_per_sc // NTILES
    sbase = (c * e_per_sc if edge_split else c * E_PAD) + s * e_per_tile
    dbase = (c * e_per_sc if edge_split else 0) + s * e_per_tile

    def idx_start(j, b):
      pltpu.async_copy(
          src1d_hbm.at[pl.ds(sbase + j * CHUNK, CHUNK)], sidxb[b], semsi[b])
      pltpu.async_copy(
          dst1d_hbm.at[pl.ds(dbase + j * CHUNK, CHUNK)], didxb[b], semdi[b])

    def idx_wait(j, b):
      pltpu.make_async_copy(
          src1d_hbm.at[pl.ds(sbase + j * CHUNK, CHUNK)],
          sidxb[b], semsi[b]).wait()
      pltpu.make_async_copy(
          dst1d_hbm.at[pl.ds(dbase + j * CHUNK, CHUNK)],
          didxb[b], semdi[b]).wait()

    def gather_start(b):
      pltpu.async_copy(g_hbm.at[sidxb[b]], rows[b], semg[b])

    def gather_wait(b):
      pltpu.make_async_copy(g_hbm.at[sidxb[b]], rows[b], semg[b]).wait()

    def scatter(b):
      pltpu.sync_copy(rows[b], acc.at[didxb[b]], add=True)

    if pipelined:
      idx_start(0, 0)
      idx_start(1, 1)
      idx_wait(0, 0)
      gather_start(0)

    tb0 = r0 if edge_split else c * N_PAD + r0
    pltpu.sync_copy(
        g_hbm.at[pl.ds(tb0, ROWS_PER_TILE), :],
        acc.at[pl.ds(r0, ROWS_PER_TILE), :],
    )
    plsc.subcore_barrier()

    if pipelined:
      def step(j, b, last):
        if not last:
          idx_wait(j + 1, 1 - b)
          gather_start(1 - b)
        gather_wait(b)
        scatter(b)
        if not last:
          idx_start(j + 2, b)

      def body(j2, carry):
        j = j2 * 2
        step(j, 0, False)
        step(j + 1, 1, False)
        return carry

      lax.fori_loop(0, k_chunks // 2 - 1, body, 0)

      jt = k_chunks - 2
      idx_wait(jt + 1, 1)
      gather_start(1)
      gather_wait(0)
      scatter(0)
      gather_wait(1)
      scatter(1)
    else:
      def body(j, carry):
        pltpu.sync_copy(
            src1d_hbm.at[pl.ds(sbase + j * CHUNK, CHUNK)], sidxb[0])
        pltpu.sync_copy(
            dst1d_hbm.at[pl.ds(dbase + j * CHUNK, CHUNK)], didxb[0])
        pltpu.async_copy(g_hbm.at[sidxb[0]], rows[0], semg[0]).wait()
        pltpu.sync_copy(rows[0], acc.at[didxb[0]], add=True)
        return carry

      lax.fori_loop(0, k_chunks, body, 0)

    plsc.subcore_barrier()
    pltpu.sync_copy(
        acc.at[pl.ds(r0, ROWS_PER_TILE), :],
        out_hbm.at[c, pl.ds(r0, ROWS_PER_TILE), :],
    )

  return k


def _make_degree():
  e_per_sc = E_PAD // NCORES
  k_chunks = e_per_sc // NTILES // CHUNK

  mesh = plsc.VectorSubcoreMesh(core_axis_name="c", subcore_axis_name="s")

  @functools.partial(
      pl.kernel,
      mesh=mesh,
      out_type=jax.ShapeDtypeStruct((NCORES, N_PAD, D), jnp.float32),
      scratch_types=[
          pltpu.VMEM((k_chunks, CHUNK), jnp.int32),
          pltpu.VMEM((CHUNK, D), jnp.float32),
          pltpu.VMEM_SHARED((N_PAD, D), jnp.float32),
          pltpu.SemaphoreType.DMA,
      ],
  )
  def k(dst2_hbm, ones_hbm, zeros_hbm, out_hbm, didx2d, ones_v, acc, sem):
    c = lax.axis_index("c")
    s = lax.axis_index("s")
    r0 = s * ROWS_PER_TILE
    drow0 = c * (e_per_sc // CHUNK) + s * k_chunks
    pltpu.sync_copy(dst2_hbm.at[pl.ds(drow0, k_chunks), :], didx2d)
    pltpu.sync_copy(zeros_hbm, acc.at[pl.ds(r0, ROWS_PER_TILE), :])
    pltpu.sync_copy(ones_hbm, ones_v)
    plsc.subcore_barrier()

    def body(j, carry):
      pltpu.sync_copy(ones_v, acc.at[didx2d.at[j]], add=True)
      return carry

    lax.fori_loop(0, k_chunks, body, 0)

    plsc.subcore_barrier()
    pltpu.sync_copy(
        acc.at[pl.ds(r0, ROWS_PER_TILE), :],
        out_hbm.at[c, pl.ds(r0, ROWS_PER_TILE), :],
    )

  return k


_prop_esplit = _make_propagate(True, pipelined=False)
_prop_csplit = _make_propagate(False, pipelined=False)
_degree = _make_degree()



_BR = 1024
_GRID = (N_PAD // _BR,)


def _prep_body(d0_ref, d1_ref, x_ref, dinv_ref, g_ref):
  deg = d0_ref[:, 0:1] + d1_ref[:, 0:1] + 1.0
  dinv = lax.rsqrt(deg)
  dinv_ref[...] = dinv
  g_ref[...] = x_ref[...] * dinv


def _prep(d0, d1, x):
  return pl.pallas_call(
      _prep_body,
      grid=_GRID,
      in_specs=[
          pl.BlockSpec((_BR, 128), lambda i: (i, 0)),
          pl.BlockSpec((_BR, 128), lambda i: (i, 0)),
          pl.BlockSpec((_BR, 128), lambda i: (i, 0)),
      ],
      out_specs=[
          pl.BlockSpec((_BR, 1), lambda i: (i, 0)),
          pl.BlockSpec((_BR, 128), lambda i: (i, 0)),
      ],
      out_shape=[
          jax.ShapeDtypeStruct((N_PAD, 1), jnp.float32),
          jax.ShapeDtypeStruct((N_PAD, 128), jnp.float32),
      ],
  )(d0, d1, x)


def _layer1_body(s_ref, g0_ref, dinv_ref, w_ref, b_ref, g_ref):
  dinv = dinv_ref[...]
  u = (s_ref[0, :, :] + s_ref[1, :, :] - g0_ref[...]) * dinv
  y = u @ w_ref[...] + b_ref[...]
  y = jnp.maximum(y, 0.0) * dinv
  g_ref[0, :, :] = y[:, :128]
  g_ref[1, :, :] = y[:, 128:]


def _layer1(s, g0, dinv, w, b):
  return pl.pallas_call(
      _layer1_body,
      grid=_GRID,
      in_specs=[
          pl.BlockSpec((NCORES, _BR, 128), lambda i: (0, i, 0)),
          pl.BlockSpec((_BR, 128), lambda i: (i, 0)),
          pl.BlockSpec((_BR, 1), lambda i: (i, 0)),
          pl.BlockSpec((128, 256), lambda i: (0, 0)),
          pl.BlockSpec((1, 256), lambda i: (0, 0)),
      ],
      out_specs=pl.BlockSpec((NCORES, _BR, 128), lambda i: (0, i, 0)),
      out_shape=jax.ShapeDtypeStruct((NCORES, N_PAD, 128), jnp.float32),
  )(s, g0, dinv, w, b.reshape(1, 256))


def _layer2_body(s_ref, dinv_ref, w_ref, b_ref, g_ref):
  dinv = dinv_ref[...]
  ua = s_ref[0, :, :] * dinv
  ub = s_ref[1, :, :] * dinv
  y = ua @ w_ref[:128, :] + ub @ w_ref[128:, :] + b_ref[...]
  y = jnp.maximum(y, 0.0) * dinv
  g_ref[0, :, :] = y[:, :128]
  g_ref[1, :, :] = y[:, 128:]


def _layer2(s, dinv, w, b):
  return pl.pallas_call(
      _layer2_body,
      grid=_GRID,
      in_specs=[
          pl.BlockSpec((NCORES, _BR, 128), lambda i: (0, i, 0)),
          pl.BlockSpec((_BR, 1), lambda i: (i, 0)),
          pl.BlockSpec((256, 256), lambda i: (0, 0)),
          pl.BlockSpec((1, 256), lambda i: (0, 0)),
      ],
      out_specs=pl.BlockSpec((NCORES, _BR, 128), lambda i: (0, i, 0)),
      out_shape=jax.ShapeDtypeStruct((NCORES, N_PAD, 128), jnp.float32),
  )(s, dinv, w, b.reshape(1, 256))


def _tail_body(s_ref, dinv_ref, w3_ref, b3_ref, wo1_ref, bo1_ref,
               wo2_ref, bo2_ref, out_ref):
  dinv = dinv_ref[...]
  ua = s_ref[0, :, :] * dinv
  ub = s_ref[1, :, :] * dinv
  y = ua @ w3_ref[:128, :] + ub @ w3_ref[128:, :] + b3_ref[...]
  y = jnp.maximum(y, 0.0)
  t = y @ wo1_ref[...] + bo1_ref[...]
  out_ref[...] = t @ wo2_ref[...] + bo2_ref[...]


def _tail(s, dinv, w3, b3, wo1, bo1, wo2, bo2):
  return pl.pallas_call(
      _tail_body,
      grid=_GRID,
      in_specs=[
          pl.BlockSpec((NCORES, _BR, 128), lambda i: (0, i, 0)),
          pl.BlockSpec((_BR, 1), lambda i: (i, 0)),
          pl.BlockSpec((256, 256), lambda i: (0, 0)),
          pl.BlockSpec((1, 256), lambda i: (0, 0)),
          pl.BlockSpec((256, 256), lambda i: (0, 0)),
          pl.BlockSpec((1, 256), lambda i: (0, 0)),
          pl.BlockSpec((256, 128), lambda i: (0, 0)),
          pl.BlockSpec((1, 128), lambda i: (0, 0)),
      ],
      out_specs=pl.BlockSpec((_BR, 128), lambda i: (i, 0)),
      out_shape=jax.ShapeDtypeStruct((N_PAD, 128), jnp.float32),
  )(s, dinv, w3, b3.reshape(1, 256), wo1, bo1.reshape(1, 256),
    wo2, bo2.reshape(1, 128))




def kernel(x, edge_index, W1, b1, W2, b2, W3, b3, Wo1, bo1, Wo2, bo2):
  src = edge_index[0].astype(jnp.int32)
  dst = edge_index[1].astype(jnp.int32)
  pad = E_PAD - N_EDGES
  dump = N_NODES + jnp.arange(pad, dtype=jnp.int32) % (N_PAD - N_NODES)
  src_2d = jnp.concatenate([src, dump]).reshape(E_PAD // CHUNK, CHUNK)
  dst_2d = jnp.concatenate([dst, dump]).reshape(E_PAD // CHUNK, CHUNK)
  src_1d = src_2d.reshape(E_PAD)
  dst_1d = dst_2d.reshape(E_PAD)
  src2_1d = jnp.concatenate([src_1d, src_1d + N_PAD])
  x_pad = jnp.pad(x, ((0, N_PAD - N_NODES), (0, 0)))

  ones_in = jnp.ones((CHUNK, D), jnp.float32)
  zeros_in = jnp.zeros((ROWS_PER_TILE, D), jnp.float32)
  d = _degree(dst_2d, ones_in, zeros_in)
  dinv, g0 = _prep(d[0], d[1], x_pad)
  s0 = _prop_esplit(g0, src_1d, dst_1d)
  g1 = _layer1(s0, g0, dinv, W1, b1)
  s1 = _prop_csplit(g1.reshape(2 * N_PAD, 128), src2_1d, dst_1d)
  g2 = _layer2(s1, dinv, W2, b2)
  s2 = _prop_csplit(g2.reshape(2 * N_PAD, 128), src2_1d, dst_1d)
  out = _tail(s2, dinv, W3, b3, Wo1, bo1, Wo2, bo2)
  return out[:N_NODES]

# --- scband reference (transcript-rebuilt; emitter-appended) ---
"""Pipeline reference for scband-model-8014408974412 (READ-ONLY COPY).

The authoritative reference and input builder live on the scoring server;
editing this copy changes nothing except your own understanding.
"""

import jax, jax.numpy as jnp
import numpy as np

N_NODES = 10000
N_EDGES = 320000
D_IN = 128
D_HID = 256
D_OUT = 128


def setup_inputs(seed: int = 0) -> dict:
    key = jax.random.key(seed)
    ks = jax.random.split(key, 16)
    x = jax.random.normal(ks[0], (N_NODES, D_IN), dtype=jnp.float32)
    edge_index = jax.random.randint(ks[1], (2, N_EDGES), 0, N_NODES, dtype=jnp.int64 if jax.config.jax_enable_x64 else jnp.int32)
    def glorot(k, shp):
        fan_in, fan_out = shp[0], shp[1]
        lim = (6.0 / (fan_in + fan_out)) ** 0.5
        return jax.random.uniform(k, shp, dtype=jnp.float32, minval=-lim, maxval=lim)
    W1 = glorot(ks[2], (D_IN, D_HID)); b1 = jnp.zeros((D_HID,), jnp.float32)
    W2 = glorot(ks[3], (D_HID, D_HID)); b2 = jnp.zeros((D_HID,), jnp.float32)
    W3 = glorot(ks[4], (D_HID, D_HID)); b3 = jnp.zeros((D_HID,), jnp.float32)
    Wo1 = glorot(ks[5], (D_HID, D_HID)); bo1 = jnp.zeros((D_HID,), jnp.float32)
    Wo2 = glorot(ks[6], (D_HID, D_OUT)); bo2 = jnp.zeros((D_OUT,), jnp.float32)
    return {"x": x, "edge_index": edge_index, "W1": W1, "b1": b1, "W2": W2, "b2": b2, "W3": W3, "b3": b3, "Wo1": Wo1, "bo1": bo1, "Wo2": Wo2, "bo2": bo2}


def gcn_conv(x, edge_index, W, b):
    # PyG GCNConv: linear transform, add self-loops, symmetric normalization, sum-aggregate, bias
    N = x.shape[0]
    h = x @ W
    loops = jnp.arange(N, dtype=edge_index.dtype)
    src = jnp.concatenate([edge_index[0], loops])
    dst = jnp.concatenate([edge_index[1], loops])
    deg = jnp.zeros((N,), jnp.float32).at[dst].add(1.0)
    dinv = jnp.where(deg > 0, deg ** -0.5, 0.0)
    norm = dinv[src] * dinv[dst]
    msg = h[src] * norm[:, None]
    out = jnp.zeros((N, h.shape[1]), jnp.float32).at[dst].add(msg)
    return out + b


def reference(x, edge_index, W1, b1, W2, b2, W3, b3, Wo1, bo1, Wo2, bo2):
    h = jax.nn.relu(gcn_conv(x, edge_index, W1, b1))
    h = jax.nn.relu(gcn_conv(h, edge_index, W2, b2))
    h = jax.nn.relu(gcn_conv(h, edge_index, W3, b3))
    h = h @ Wo1 + bo1
    return h @ Wo2 + bo2

if __name__ == "__main__":
    import jax
    _d = setup_inputs()
    print(jax.jit(kernel)(*tuple(_d.values())))

</pallas_src>

<mosaic_0001>
#map = affine_map<(d0, d1) -> (0, 0)>
#map1 = affine_map<(d0, d1) -> (0)>
#map2 = affine_map<(d0, d1) -> (0, 0, 0)>
module attributes {stable_mosaic.version = 14 : i64} {
  func.func @k(%arg0: i32, %arg1: i32, %arg2: memref<20480x128xf32, #tpu.memory_space<hbm>>, %arg3: memref<655360xi32, #tpu.memory_space<hbm>>, %arg4: memref<327680xi32, #tpu.memory_space<hbm>>, %arg5: memref<2x10240x128xf32, #tpu.memory_space<hbm>>, %arg6: memref<128xi32, #tpu.memory_space<vmem>>, %arg7: memref<128xi32, #tpu.memory_space<vmem>>, %arg8: memref<128xi32, #tpu.memory_space<vmem>>, %arg9: memref<128xi32, #tpu.memory_space<vmem>>, %arg10: memref<128x128xf32, #tpu.memory_space<vmem>>, %arg11: memref<128x128xf32, #tpu.memory_space<vmem>>, %arg12: memref<!tpu.dma_semaphore, #tpu.memory_space<semaphore_mem>>, %arg13: memref<!tpu.dma_semaphore, #tpu.memory_space<semaphore_mem>>, %arg14: memref<!tpu.dma_semaphore, #tpu.memory_space<semaphore_mem>>, %arg15: memref<!tpu.dma_semaphore, #tpu.memory_space<semaphore_mem>>, %arg16: memref<!tpu.dma_semaphore, #tpu.memory_space<semaphore_mem>>, %arg17: memref<!tpu.dma_semaphore, #tpu.memory_space<semaphore_mem>>, %arg18: memref<10240x128xf32, #tpu.memory_space<vmem_shared>>) attributes {dimension_semantics = [#tpu.dimension_semantics<core_parallel>, #tpu.dimension_semantics<subcore_parallel>], iteration_bounds = array<i64: 2, 16>, scalar_prefetch = 0 : i64, scratch_operands = 13 : i64, tpu.core_type = #tpu.core_type<sc_vector_subcore>, window_params = [{transform_indices = #map}, {transform_indices = #map1}, {transform_indices = #map1}, {transform_indices = #map2}]} {
    %mul3A = arith.constant 640 : i32
    %mul3A_0 = arith.muli %arg1, %mul3A : i32
    %mul3A_1 = arith.constant 327680 : i32
    %mul3A_2 = arith.muli %arg0, %mul3A_1 : i32
    %mul3A_3 = arith.constant 20480 : i32
    %mul3A_4 = arith.muli %arg1, %mul3A_3 : i32
    %add3A = arith.addi %mul3A_2, %mul3A_4 : i32
    %mul3A_5 = arith.constant 20480 : i32
    %mul3A_6 = arith.muli %arg1, %mul3A_5 : i32
    %add3A_7 = arith.constant 0 : i32
    %add3A_8 = arith.addi %add3A_7, %mul3A_6 : i32
    %mul3A_9 = arith.constant 10240 : i32
    %mul3A_10 = arith.muli %arg0, %mul3A_9 : i32
    %add3A_11 = arith.addi %mul3A_10, %mul3A_0 : i32
    "tpu.region"() ({
      %run_scoped3A = tpu.sem_alloc : memref<!tpu.dma_semaphore, #tpu.memory_space<semaphore_mem>>
      %dma_start3A = arith.constant 0 : i32
      %dma_start3A_18 = tpu.memref_slice %arg18[%mul3A_0, %dma_start3A] : memref<10240x128xf32, #tpu.memory_space<vmem_shared>> -> memref<640x128xf32, #tpu.memory_space<vmem_shared>>
      %dma_start3A_19 = arith.constant 0 : i32
      %dma_start3A_20 = tpu.memref_slice %arg2[%add3A_11, %dma_start3A_19] : memref<20480x128xf32, #tpu.memory_space<hbm>> -> memref<640x128xf32, #tpu.memory_space<hbm>>
      tpu.enqueue_dma source(%dma_start3A_20 : memref<640x128xf32, #tpu.memory_space<hbm>>) target(%dma_start3A_18 : memref<640x128xf32, #tpu.memory_space<vmem_shared>>) target_semaphore(%run_scoped3A : memref<!tpu.dma_semaphore, #tpu.memory_space<semaphore_mem>>)
      %dma_wait3A = arith.constant 0 : i32
      %dma_wait3A_21 = tpu.memref_slice %arg18[%mul3A_0, %dma_wait3A] : memref<10240x128xf32, #tpu.memory_space<vmem_shared>> -> memref<640x128xf32, #tpu.memory_space<vmem_shared>>
      %dma_wait3A_22 = arith.constant 0 : i32
      %dma_wait3A_23 = tpu.memref_slice %arg2[%add3A_11, %dma_wait3A_22] : memref<20480x128xf32, #tpu.memory_space<hbm>> -> memref<640x128xf32, #tpu.memory_space<hbm>>
      tpu.wait_dma2 semaphore(%run_scoped3A : memref<!tpu.dma_semaphore, #tpu.memory_space<semaphore_mem>>) src(%dma_wait3A_23 : memref<640x128xf32, #tpu.memory_space<hbm>>) dst(%dma_wait3A_21 : memref<640x128xf32, #tpu.memory_space<vmem_shared>>)
      tpu.yield
    }) : () -> ()
    %barrier3A = arith.constant 0 : index
    tpu.barrier barrier_id(%barrier3A)
    %scan3A = arith.constant 0 : i32
    %scan3A_12 = arith.constant 0 : i32
    %scan3A_13 = arith.constant 160 : i32
    %scan3A_14 = arith.addi %scan3A_12, %scan3A_13 : i32
    %scan3A_15 = arith.constant 1 : i32
    scf.for %scan3A_18 = %scan3A_12 to %scan3A_14 step %scan3A_15  : i32 {
      %mul3A_19 = arith.constant 128 : i32
      %mul3A_20 = arith.muli %scan3A_18, %mul3A_19 : i32
      %add3A_21 = arith.addi %add3A, %mul3A_20 : i32
      "tpu.region"() ({
        %run_scoped3A = tpu.sem_alloc : memref<!tpu.dma_semaphore, #tpu.memory_space<semaphore_mem>>
        %dma_start3A_29 = tpu.memref_slice %arg3[%add3A_21] : memref<655360xi32, #tpu.memory_space<hbm>> -> memref<128xi32, #tpu.memory_space<hbm>>
        %dma_start3A_30 = tpu.memref_slice %arg3[%add3A_21] : memref<655360xi32, #tpu.memory_space<hbm>> -> memref<128xi32, #tpu.memory_space<hbm>>
        tpu.enqueue_dma source(%dma_start3A_30 : memref<128xi32, #tpu.memory_space<hbm>>) target(%arg6 : memref<128xi32, #tpu.memory_space<vmem>>) target_semaphore(%run_scoped3A : memref<!tpu.dma_semaphore, #tpu.memory_space<semaphore_mem>>)
        %dma_wait3A_31 = tpu.memref_slice %arg3[%add3A_21] : memref<655360xi32, #tpu.memory_space<hbm>> -> memref<128xi32, #tpu.memory_space<hbm>>
        %dma_wait3A_32 = tpu.memref_slice %arg3[%add3A_21] : memref<655360xi32, #tpu.memory_space<hbm>> -> memref<128xi32, #tpu.memory_space<hbm>>
        tpu.wait_dma2 semaphore(%run_scoped3A : memref<!tpu.dma_semaphore, #tpu.memory_space<semaphore_mem>>) src(%dma_wait3A_32 : memref<128xi32, #tpu.memory_space<hbm>>) dst(%arg6 : memref<128xi32, #tpu.memory_space<vmem>>)
        tpu.yield
      }) : () -> ()
      %mul3A_22 = arith.constant 128 : i32
      %mul3A_23 = arith.muli %scan3A_18, %mul3A_22 : i32
      %add3A_24 = arith.addi %add3A_8, %mul3A_23 : i32
      "tpu.region"() ({
        %run_scoped3A = tpu.sem_alloc : memref<!tpu.dma_semaphore, #tpu.memory_space<semaphore_mem>>
        %dma_start3A_29 = tpu.memref_slice %arg4[%add3A_24] : memref<327680xi32, #tpu.memory_space<hbm>> -> memref<128xi32, #tpu.memory_space<hbm>>
        %dma_start3A_30 = tpu.memref_slice %arg4[%add3A_24] : memref<327680xi32, #tpu.memory_space<hbm>> -> memref<128xi32, #tpu.memory_space<hbm>>
        tpu.enqueue_dma source(%dma_start3A_30 : memref<128xi32, #tpu.memory_space<hbm>>) target(%arg8 : memref<128xi32, #tpu.memory_space<vmem>>) target_semaphore(%run_scoped3A : memref<!tpu.dma_semaphore, #tpu.memory_space<semaphore_mem>>)
        %dma_wait3A_31 = tpu.memref_slice %arg4[%add3A_24] : memref<327680xi32, #tpu.memory_space<hbm>> -> memref<128xi32, #tpu.memory_space<hbm>>
        %dma_wait3A_32 = tpu.memref_slice %arg4[%add3A_24] : memref<327680xi32, #tpu.memory_space<hbm>> -> memref<128xi32, #tpu.memory_space<hbm>>
        tpu.wait_dma2 semaphore(%run_scoped3A : memref<!tpu.dma_semaphore, #tpu.memory_space<semaphore_mem>>) src(%dma_wait3A_32 : memref<128xi32, #tpu.memory_space<hbm>>) dst(%arg8 : memref<128xi32, #tpu.memory_space<vmem>>)
        tpu.yield
      }) : () -> ()
      %dma_start3A = arith.constant 0 : i32
      %dma_start3A_25 = arith.constant 0 : i32
      %dma_start3A_26 = tpu.memref_slice %arg2[%dma_start3A, %dma_start3A_25] : memref<20480x128xf32, #tpu.memory_space<hbm>> -> memref<20480x128xf32, #tpu.memory_space<hbm>>
      tpu.enqueue_indirect_dma source(%dma_start3A_26 : memref<20480x128xf32, #tpu.memory_space<hbm>>) target(%arg10 : memref<128x128xf32, #tpu.memory_space<vmem>>) offsets(%arg6 : memref<128xi32, #tpu.memory_space<vmem>>) semaphore(%arg16 : memref<!tpu.dma_semaphore, #tpu.memory_space<semaphore_mem>>)
      %dma_wait3A = arith.constant 0 : i32
      %dma_wait3A_27 = arith.constant 0 : i32
      %dma_wait3A_28 = tpu.memref_slice %arg2[%dma_wait3A, %dma_wait3A_27] : memref<20480x128xf32, #tpu.memory_space<hbm>> -> memref<20480x128xf32, #tpu.memory_space<hbm>>
      tpu.wait_indirect_dma semaphore(%arg16 : memref<!tpu.dma_semaphore, #tpu.memory_space<semaphore_mem>>) src(%dma_wait3A_28 : memref<20480x128xf32, #tpu.memory_space<hbm>>) dst(%arg10 : memref<128x128xf32, #tpu.memory_space<vmem>>)
      "tpu.region"() ({
        %run_scoped3A = tpu.sem_alloc : memref<!tpu.dma_semaphore, #tpu.memory_space<semaphore_mem>>
        %dma_start3A_29 = arith.constant 0 : i32
        %dma_start3A_30 = arith.constant 0 : i32
        %dma_start3A_31 = tpu.memref_slice %arg18[%dma_start3A_29, %dma_start3A_30] : memref<10240x128xf32, #tpu.memory_space<vmem_shared>> -> memref<10240x128xf32, #tpu.memory_space<vmem_shared>>
        tpu.enqueue_indirect_dma source(%arg10 : memref<128x128xf32, #tpu.memory_space<vmem>>) target(%dma_start3A_31 : memref<10240x128xf32, #tpu.memory_space<vmem_shared>>) offsets(%arg8 : memref<128xi32, #tpu.memory_space<vmem>>) semaphore(%run_scoped3A : memref<!tpu.dma_semaphore, #tpu.memory_space<semaphore_mem>>) {add = true}
        %dma_wait3A_32 = arith.constant 0 : i32
        %dma_wait3A_33 = arith.constant 0 : i32
        %dma_wait3A_34 = tpu.memref_slice %arg18[%dma_wait3A_32, %dma_wait3A_33] : memref<10240x128xf32, #tpu.memory_space<vmem_shared>> -> memref<10240x128xf32, #tpu.memory_space<vmem_shared>>
        tpu.wait_indirect_dma semaphore(%run_scoped3A : memref<!tpu.dma_semaphore, #tpu.memory_space<semaphore_mem>>) src(%arg10 : memref<128x128xf32, #tpu.memory_space<vmem>>) dst(%dma_wait3A_34 : memref<10240x128xf32, #tpu.memory_space<vmem_shared>>)
        tpu.yield
      }) : () -> ()
    }
    %scan3A_16 = arith.constant 160 : i32
    %barrier3A_17 = arith.constant 0 : index
    tpu.barrier barrier_id(%barrier3A_17)
    "tpu.region"() ({
      %run_scoped3A = tpu.sem_alloc : memref<!tpu.dma_semaphore, #tpu.memory_space<semaphore_mem>>
      %dma_start3A = arith.constant 0 : i32
      %dma_start3A_18 = tpu.memref_slice %arg5[%arg0, %mul3A_0, %dma_start3A] : memref<2x10240x128xf32, #tpu.memory_space<hbm>> -> memref<1x640x128xf32, #tpu.memory_space<hbm>>
      %dma_start3A_19 = tpu.memref_squeeze %dma_start3A_18 : memref<1x640x128xf32, #tpu.memory_space<hbm>> -> memref<640x128xf32, #tpu.memory_space<hbm>>
      %dma_start3A_20 = arith.constant 0 : i32
      %dma_start3A_21 = tpu.memref_slice %arg18[%mul3A_0, %dma_start3A_20] : memref<10240x128xf32, #tpu.memory_space<vmem_shared>> -> memref<640x128xf32, #tpu.memory_space<vmem_shared>>
      tpu.enqueue_dma source(%dma_start3A_21 : memref<640x128xf32, #tpu.memory_space<vmem_shared>>) target(%dma_start3A_19 : memref<640x128xf32, #tpu.memory_space<hbm>>) target_semaphore(%run_scoped3A : memref<!tpu.dma_semaphore, #tpu.memory_space<semaphore_mem>>)
      %dma_wait3A = arith.constant 0 : i32
      %dma_wait3A_22 = tpu.memref_slice %arg5[%arg0, %mul3A_0, %dma_wait3A] : memref<2x10240x128xf32, #tpu.memory_space<hbm>> -> memref<1x640x128xf32, #tpu.memory_space<hbm>>
      %dma_wait3A_23 = tpu.memref_squeeze %dma_wait3A_22 : memref<1x640x128xf32, #tpu.memory_space<hbm>> -> memref<640x128xf32, #tpu.memory_space<hbm>>
      %dma_wait3A_24 = arith.constant 0 : i32
      %dma_wait3A_25 = tpu.memref_slice %arg18[%mul3A_0, %dma_wait3A_24] : memref<10240x128xf32, #tpu.memory_space<vmem_shared>> -> memref<640x128xf32, #tpu.memory_space<vmem_shared>>
      tpu.wait_dma2 semaphore(%run_scoped3A : memref<!tpu.dma_semaphore, #tpu.memory_space<semaphore_mem>>) src(%dma_wait3A_25 : memref<640x128xf32, #tpu.memory_space<vmem_shared>>) dst(%dma_wait3A_23 : memref<640x128xf32, #tpu.memory_space<hbm>>)
      tpu.yield
    }) : () -> ()
    return
  }
}

#map = affine_map<(d0, d1) -> (0, 0)>
#map1 = affine_map<(d0, d1) -> (0, 0, 0)>
module attributes {stable_mosaic.version = 14 : i64} {
  func.func @k(%arg0: i32, %arg1: i32, %arg2: memref<2560x128xi32, #tpu.memory_space<hbm>>, %arg3: memref<128x128xf32, #tpu.memory_space<hbm>>, %arg4: memref<640x128xf32, #tpu.memory_space<hbm>>, %arg5: memref<2x10240x128xf32, #tpu.memory_space<hbm>>, %arg6: memref<80x128xi32, #tpu.memory_space<vmem>>, %arg7: memref<128x128xf32, #tpu.memory_space<vmem>>, %arg8: memref<10240x128xf32, #tpu.memory_space<vmem_shared>>, %arg9: memref<!tpu.dma_semaphore, #tpu.memory_space<semaphore_mem>>) attributes {dimension_semantics = [#tpu.dimension_semantics<core_parallel>, #tpu.dimension_semantics<subcore_parallel>], iteration_bounds = array<i64: 2, 16>, scalar_prefetch = 0 : i64, scratch_operands = 4 : i64, tpu.core_type = #tpu.core_type<sc_vector_subcore>, window_params = [{transform_indices = #map}, {transform_indices = #map}, {transform_indices = #map}, {transform_indices = #map1}]} {
    %mul3A = arith.constant 640 : i32
    %mul3A_0 = arith.muli %arg1, %mul3A : i32
    %mul3A_1 = arith.constant 1280 : i32
    %mul3A_2 = arith.muli %arg0, %mul3A_1 : i32
    %mul3A_3 = arith.constant 80 : i32
    %mul3A_4 = arith.muli %arg1, %mul3A_3 : i32
    %add3A = arith.addi %mul3A_2, %mul3A_4 : i32
    "tpu.region"() ({
      %run_scoped3A = tpu.sem_alloc : memref<!tpu.dma_semaphore, #tpu.memory_space<semaphore_mem>>
      %dma_start3A = arith.constant 0 : i32
      %dma_start3A_11 = tpu.memref_slice %arg2[%add3A, %dma_start3A] : memref<2560x128xi32, #tpu.memory_space<hbm>> -> memref<80x128xi32, #tpu.memory_space<hbm>>
      %dma_start3A_12 = arith.constant 0 : i32
      %dma_start3A_13 = tpu.memref_slice %arg2[%add3A, %dma_start3A_12] : memref<2560x128xi32, #tpu.memory_space<hbm>> -> memref<80x128xi32, #tpu.memory_space<hbm>>
      tpu.enqueue_dma source(%dma_start3A_13 : memref<80x128xi32, #tpu.memory_space<hbm>>) target(%arg6 : memref<80x128xi32, #tpu.memory_space<vmem>>) target_semaphore(%run_scoped3A : memref<!tpu.dma_semaphore, #tpu.memory_space<semaphore_mem>>)
      %dma_wait3A = arith.constant 0 : i32
      %dma_wait3A_14 = tpu.memref_slice %arg2[%add3A, %dma_wait3A] : memref<2560x128xi32, #tpu.memory_space<hbm>> -> memref<80x128xi32, #tpu.memory_space<hbm>>
      %dma_wait3A_15 = arith.constant 0 : i32
      %dma_wait3A_16 = tpu.memref_slice %arg2[%add3A, %dma_wait3A_15] : memref<2560x128xi32, #tpu.memory_space<hbm>> -> memref<80x128xi32, #tpu.memory_space<hbm>>
      tpu.wait_dma2 semaphore(%run_scoped3A : memref<!tpu.dma_semaphore, #tpu.memory_space<semaphore_mem>>) src(%dma_wait3A_16 : memref<80x128xi32, #tpu.memory_space<hbm>>) dst(%arg6 : memref<80x128xi32, #tpu.memory_space<vmem>>)
      tpu.yield
    }) : () -> ()
    "tpu.region"() ({
      %run_scoped3A = tpu.sem_alloc : memref<!tpu.dma_semaphore, #tpu.memory_space<semaphore_mem>>
      %dma_start3A = arith.constant 0 : i32
      %dma_start3A_11 = tpu.memref_slice %arg8[%mul3A_0, %dma_start3A] : memref<10240x128xf32, #tpu.memory_space<vmem_shared>> -> memref<640x128xf32, #tpu.memory_space<vmem_shared>>
      tpu.enqueue_dma source(%arg4 : memref<640x128xf32, #tpu.memory_space<hbm>>) target(%dma_start3A_11 : memref<640x128xf32, #tpu.memory_space<vmem_shared>>) target_semaphore(%run_scoped3A : memref<!tpu.dma_semaphore, #tpu.memory_space<semaphore_mem>>)
      %dma_wait3A = arith.constant 0 : i32
      %dma_wait3A_12 = tpu.memref_slice %arg8[%mul3A_0, %dma_wait3A] : memref<10240x128xf32, #tpu.memory_space<vmem_shared>> -> memref<640x128xf32, #tpu.memory_space<vmem_shared>>
      tpu.wait_dma2 semaphore(%run_scoped3A : memref<!tpu.dma_semaphore, #tpu.memory_space<semaphore_mem>>) src(%arg4 : memref<640x128xf32, #tpu.memory_space<hbm>>) dst(%dma_wait3A_12 : memref<640x128xf32, #tpu.memory_space<vmem_shared>>)
      tpu.yield
    }) : () -> ()
    "tpu.region"() ({
      %run_scoped3A = tpu.sem_alloc : memref<!tpu.dma_semaphore, #tpu.memory_space<semaphore_mem>>
      tpu.enqueue_dma source(%arg3 : memref<128x128xf32, #tpu.memory_space<hbm>>) target(%arg7 : memref<128x128xf32, #tpu.memory_space<vmem>>) target_semaphore(%run_scoped3A : memref<!tpu.dma_semaphore, #tpu.memory_space<semaphore_mem>>)
      tpu.wait_dma2 semaphore(%run_scoped3A : memref<!tpu.dma_semaphore, #tpu.memory_space<semaphore_mem>>) src(%arg3 : memref<128x128xf32, #tpu.memory_space<hbm>>) dst(%arg7 : memref<128x128xf32, #tpu.memory_space<vmem>>)
      tpu.yield
    }) : () -> ()
    %barrier3A = arith.constant 0 : index
    tpu.barrier barrier_id(%barrier3A)
    %scan3A = arith.constant 0 : i32
    %scan3A_5 = arith.constant 0 : i32
    %scan3A_6 = arith.constant 80 : i32
    %scan3A_7 = arith.addi %scan3A_5, %scan3A_6 : i32
    %scan3A_8 = arith.constant 1 : i32
    scf.for %scan3A_11 = %scan3A_5 to %scan3A_7 step %scan3A_8  : i32 {
      "tpu.region"() ({
        %run_scoped3A = tpu.sem_alloc : memref<!tpu.dma_semaphore, #tpu.memory_space<semaphore_mem>>
        %dma_start3A = arith.constant 0 : i32
        %dma_start3A_12 = tpu.memref_slice %arg6[%scan3A_11, %dma_start3A] : memref<80x128xi32, #tpu.memory_space<vmem>> -> memref<1x128xi32, #tpu.memory_space<vmem>>
        %dma_start3A_13 = tpu.memref_squeeze %dma_start3A_12 : memref<1x128xi32, #tpu.memory_space<vmem>> -> memref<128xi32, #tpu.memory_space<vmem>>
        %dma_start3A_14 = arith.constant 0 : i32
        %dma_start3A_15 = arith.constant 0 : i32
        %dma_start3A_16 = tpu.memref_slice %arg8[%dma_start3A_14, %dma_start3A_15] : memref<10240x128xf32, #tpu.memory_space<vmem_shared>> -> memref<10240x128xf32, #tpu.memory_space<vmem_shared>>
        tpu.enqueue_indirect_dma source(%arg7 : memref<128x128xf32, #tpu.memory_space<vmem>>) target(%dma_start3A_16 : memref<10240x128xf32, #tpu.memory_space<vmem_shared>>) offsets(%dma_start3A_13 : memref<128xi32, #tpu.memory_space<vmem>>) semaphore(%run_scoped3A : memref<!tpu.dma_semaphore, #tpu.memory_space<semaphore_mem>>) {add = true}
        %dma_wait3A = arith.constant 0 : i32
        %dma_wait3A_17 = tpu.memref_slice %arg6[%scan3A_11, %dma_wait3A] : memref<80x128xi32, #tpu.memory_space<vmem>> -> memref<1x128xi32, #tpu.memory_space<vmem>>
        %dma_wait3A_18 = tpu.memref_squeeze %dma_wait3A_17 : memref<1x128xi32, #tpu.memory_space<vmem>> -> memref<128xi32, #tpu.memory_space<vmem>>
        %dma_wait3A_19 = arith.constant 0 : i32
        %dma_wait3A_20 = arith.constant 0 : i32
        %dma_wait3A_21 = tpu.memref_slice %arg8[%dma_wait3A_19, %dma_wait3A_20] : memref<10240x128xf32, #tpu.memory_space<vmem_shared>> -> memref<10240x128xf32, #tpu.memory_space<vmem_shared>>
        tpu.wait_indirect_dma semaphore(%run_scoped3A : memref<!tpu.dma_semaphore, #tpu.memory_space<semaphore_mem>>) src(%arg7 : memref<128x128xf32, #tpu.memory_space<vmem>>) dst(%dma_wait3A_21 : memref<10240x128xf32, #tpu.memory_space<vmem_shared>>)
        tpu.yield
      }) : () -> ()
    }
    %scan3A_9 = arith.constant 80 : i32
    %barrier3A_10 = arith.constant 0 : index
    tpu.barrier barrier_id(%barrier3A_10)
    "tpu.region"() ({
      %run_scoped3A = tpu.sem_alloc : memref<!tpu.dma_semaphore, #tpu.memory_space<semaphore_mem>>
      %dma_start3A = arith.constant 0 : i32
      %dma_start3A_11 = tpu.memref_slice %arg5[%arg0, %mul3A_0, %dma_start3A] : memref<2x10240x128xf32, #tpu.memory_space<hbm>> -> memref<1x640x128xf32, #tpu.memory_space<hbm>>
      %dma_start3A_12 = tpu.memref_squeeze %dma_start3A_11 : memref<1x640x128xf32, #tpu.memory_space<hbm>> -> memref<640x128xf32, #tpu.memory_space<hbm>>
      %dma_start3A_13 = arith.constant 0 : i32
      %dma_start3A_14 = tpu.memref_slice %arg8[%mul3A_0, %dma_start3A_13] : memref<10240x128xf32, #tpu.memory_space<vmem_shared>> -> memref<640x128xf32, #tpu.memory_space<vmem_shared>>
      tpu.enqueue_dma source(%dma_start3A_14 : memref<640x128xf32, #tpu.memory_space<vmem_shared>>) target(%dma_start3A_12 : memref<640x128xf32, #tpu.memory_space<hbm>>) target_semaphore(%run_scoped3A : memref<!tpu.dma_semaphore, #tpu.memory_space<semaphore_mem>>)
      %dma_wait3A = arith.constant 0 : i32
      %dma_wait3A_15 = tpu.memref_slice %arg5[%arg0, %mul3A_0, %dma_wait3A] : memref<2x10240x128xf32, #tpu.memory_space<hbm>> -> memref<1x640x128xf32, #tpu.memory_space<hbm>>
      %dma_wait3A_16 = tpu.memref_squeeze %dma_wait3A_15 : memref<1x640x128xf32, #tpu.memory_space<hbm>> -> memref<640x128xf32, #tpu.memory_space<hbm>>
      %dma_wait3A_17 = arith.constant 0 : i32
      %dma_wait3A_18 = tpu.memref_slice %arg8[%mul3A_0, %dma_wait3A_17] : memref<10240x128xf32, #tpu.memory_space<vmem_shared>> -> memref<640x128xf32, #tpu.memory_space<vmem_shared>>
      tpu.wait_dma2 semaphore(%run_scoped3A : memref<!tpu.dma_semaphore, #tpu.memory_space<semaphore_mem>>) src(%dma_wait3A_18 : memref<640x128xf32, #tpu.memory_space<vmem_shared>>) dst(%dma_wait3A_16 : memref<640x128xf32, #tpu.memory_space<hbm>>)
      tpu.yield
    }) : () -> ()
    return
  }
}

#map = affine_map<(d0, d1) -> (0, 0)>
#map1 = affine_map<(d0, d1) -> (0)>
#map2 = affine_map<(d0, d1) -> (0, 0, 0)>
module attributes {stable_mosaic.version = 14 : i64} {
  func.func @k(%arg0: i32, %arg1: i32, %arg2: memref<10240x128xf32, #tpu.memory_space<hbm>>, %arg3: memref<327680xi32, #tpu.memory_space<hbm>>, %arg4: memref<327680xi32, #tpu.memory_space<hbm>>, %arg5: memref<2x10240x128xf32, #tpu.memory_space<hbm>>, %arg6: memref<128xi32, #tpu.memory_space<vmem>>, %arg7: memref<128xi32, #tpu.memory_space<vmem>>, %arg8: memref<128xi32, #tpu.memory_space<vmem>>, %arg9: memref<128xi32, #tpu.memory_space<vmem>>, %arg10: memref<128x128xf32, #tpu.memory_space<vmem>>, %arg11: memref<128x128xf32, #tpu.memory_space<vmem>>, %arg12: memref<!tpu.dma_semaphore, #tpu.memory_space<semaphore_mem>>, %arg13: memref<!tpu.dma_semaphore, #tpu.memory_space<semaphore_mem>>, %arg14: memref<!tpu.dma_semaphore, #tpu.memory_space<semaphore_mem>>, %arg15: memref<!tpu.dma_semaphore, #tpu.memory_space<semaphore_mem>>, %arg16: memref<!tpu.dma_semaphore, #tpu.memory_space<semaphore_mem>>, %arg17: memref<!tpu.dma_semaphore, #tpu.memory_space<semaphore_mem>>, %arg18: memref<10240x128xf32, #tpu.memory_space<vmem_shared>>) attributes {dimension_semantics = [#tpu.dimension_semantics<core_parallel>, #tpu.dimension_semantics<subcore_parallel>], iteration_bounds = array<i64: 2, 16>, scalar_prefetch = 0 : i64, scratch_operands = 13 : i64, tpu.core_type = #tpu.core_type<sc_vector_subcore>, window_params = [{transform_indices = #map}, {transform_indices = #map1}, {transform_indices = #map1}, {transform_indices = #map2}]} {
    %mul3A = arith.constant 640 : i32
    %mul3A_0 = arith.muli %arg1, %mul3A : i32
    %mul3A_1 = arith.constant 163840 : i32
    %mul3A_2 = arith.muli %arg0, %mul3A_1 : i32
    %mul3A_3 = arith.constant 10240 : i32
    %mul3A_4 = arith.muli %arg1, %mul3A_3 : i32
    %add3A = arith.addi %mul3A_2, %mul3A_4 : i32
    %mul3A_5 = arith.constant 163840 : i32
    %mul3A_6 = arith.muli %arg0, %mul3A_5 : i32
    %mul3A_7 = arith.constant 10240 : i32
    %mul3A_8 = arith.muli %arg1, %mul3A_7 : i32
    %add3A_9 = arith.addi %mul3A_6, %mul3A_8 : i32
    "tpu.region"() ({
      %run_scoped3A = tpu.sem_alloc : memref<!tpu.dma_semaphore, #tpu.memory_space<semaphore_mem>>
      %dma_start3A = arith.constant 0 : i32
      %dma_start3A_16 = tpu.memref_slice %arg18[%mul3A_0, %dma_start3A] : memref<10240x128xf32, #tpu.memory_space<vmem_shared>> -> memref<640x128xf32, #tpu.memory_space<vmem_shared>>
      %dma_start3A_17 = arith.constant 0 : i32
      %dma_start3A_18 = tpu.memref_slice %arg2[%mul3A_0, %dma_start3A_17] : memref<10240x128xf32, #tpu.memory_space<hbm>> -> memref<640x128xf32, #tpu.memory_space<hbm>>
      tpu.enqueue_dma source(%dma_start3A_18 : memref<640x128xf32, #tpu.memory_space<hbm>>) target(%dma_start3A_16 : memref<640x128xf32, #tpu.memory_space<vmem_shared>>) target_semaphore(%run_scoped3A : memref<!tpu.dma_semaphore, #tpu.memory_space<semaphore_mem>>)
      %dma_wait3A = arith.constant 0 : i32
      %dma_wait3A_19 = tpu.memref_slice %arg18[%mul3A_0, %dma_wait3A] : memref<10240x128xf32, #tpu.memory_space<vmem_shared>> -> memref<640x128xf32, #tpu.memory_space<vmem_shared>>
      %dma_wait3A_20 = arith.constant 0 : i32
      %dma_wait3A_21 = tpu.memref_slice %arg2[%mul3A_0, %dma_wait3A_20] : memref<10240x128xf32, #tpu.memory_space<hbm>> -> memref<640x128xf32, #tpu.memory_space<hbm>>
      tpu.wait_dma2 semaphore(%run_scoped3A : memref<!tpu.dma_semaphore, #tpu.memory_space<semaphore_mem>>) src(%dma_wait3A_21 : memref<640x128xf32, #tpu.memory_space<hbm>>) dst(%dma_wait3A_19 : memref<640x128xf32, #tpu.memory_space<vmem_shared>>)
      tpu.yield
    }) : () -> ()
    %barrier3A = arith.constant 0 : index
    tpu.barrier barrier_id(%barrier3A)
    %scan3A = arith.constant 0 : i32
    %scan3A_10 = arith.constant 0 : i32
    %scan3A_11 = arith.constant 80 : i32
    %scan3A_12 = arith.addi %scan3A_10, %scan3A_11 : i32
    %scan3A_13 = arith.constant 1 : i32
    scf.for %scan3A_16 = %scan3A_10 to %scan3A_12 step %scan3A_13  : i32 {
      %mul3A_17 = arith.constant 128 : i32
      %mul3A_18 = arith.muli %scan3A_16, %mul3A_17 : i32
      %add3A_19 = arith.addi %add3A, %mul3A_18 : i32
      "tpu.region"() ({
        %run_scoped3A = tpu.sem_alloc : memref<!tpu.dma_semaphore, #tpu.memory_space<semaphore_mem>>
        %dma_start3A_27 = tpu.memref_slice %arg3[%add3A_19] : memref<327680xi32, #tpu.memory_space<hbm>> -> memref<128xi32, #tpu.memory_space<hbm>>
        %dma_start3A_28 = tpu.memref_slice %arg3[%add3A_19] : memref<327680xi32, #tpu.memory_space<hbm>> -> memref<128xi32, #tpu.memory_space<hbm>>
        tpu.enqueue_dma source(%dma_start3A_28 : memref<128xi32, #tpu.memory_space<hbm>>) target(%arg6 : memref<128xi32, #tpu.memory_space<vmem>>) target_semaphore(%run_scoped3A : memref<!tpu.dma_semaphore, #tpu.memory_space<semaphore_mem>>)
        %dma_wait3A_29 = tpu.memref_slice %arg3[%add3A_19] : memref<327680xi32, #tpu.memory_space<hbm>> -> memref<128xi32, #tpu.memory_space<hbm>>
        %dma_wait3A_30 = tpu.memref_slice %arg3[%add3A_19] : memref<327680xi32, #tpu.memory_space<hbm>> -> memref<128xi32, #tpu.memory_space<hbm>>
        tpu.wait_dma2 semaphore(%run_scoped3A : memref<!tpu.dma_semaphore, #tpu.memory_space<semaphore_mem>>) src(%dma_wait3A_30 : memref<128xi32, #tpu.memory_space<hbm>>) dst(%arg6 : memref<128xi32, #tpu.memory_space<vmem>>)
        tpu.yield
      }) : () -> ()
      %mul3A_20 = arith.constant 128 : i32
      %mul3A_21 = arith.muli %scan3A_16, %mul3A_20 : i32
      %add3A_22 = arith.addi %add3A_9, %mul3A_21 : i32
      "tpu.region"() ({
        %run_scoped3A = tpu.sem_alloc : memref<!tpu.dma_semaphore, #tpu.memory_space<semaphore_mem>>
        %dma_start3A_27 = tpu.memref_slice %arg4[%add3A_22] : memref<327680xi32, #tpu.memory_space<hbm>> -> memref<128xi32, #tpu.memory_space<hbm>>
        %dma_start3A_28 = tpu.memref_slice %arg4[%add3A_22] : memref<327680xi32, #tpu.memory_space<hbm>> -> memref<128xi32, #tpu.memory_space<hbm>>
        tpu.enqueue_dma source(%dma_start3A_28 : memref<128xi32, #tpu.memory_space<hbm>>) target(%arg8 : memref<128xi32, #tpu.memory_space<vmem>>) target_semaphore(%run_scoped3A : memref<!tpu.dma_semaphore, #tpu.memory_space<semaphore_mem>>)
        %dma_wait3A_29 = tpu.memref_slice %arg4[%add3A_22] : memref<327680xi32, #tpu.memory_space<hbm>> -> memref<128xi32, #tpu.memory_space<hbm>>
        %dma_wait3A_30 = tpu.memref_slice %arg4[%add3A_22] : memref<327680xi32, #tpu.memory_space<hbm>> -> memref<128xi32, #tpu.memory_space<hbm>>
        tpu.wait_dma2 semaphore(%run_scoped3A : memref<!tpu.dma_semaphore, #tpu.memory_space<semaphore_mem>>) src(%dma_wait3A_30 : memref<128xi32, #tpu.memory_space<hbm>>) dst(%arg8 : memref<128xi32, #tpu.memory_space<vmem>>)
        tpu.yield
      }) : () -> ()
      %dma_start3A = arith.constant 0 : i32
      %dma_start3A_23 = arith.constant 0 : i32
      %dma_start3A_24 = tpu.memref_slice %arg2[%dma_start3A, %dma_start3A_23] : memref<10240x128xf32, #tpu.memory_space<hbm>> -> memref<10240x128xf32, #tpu.memory_space<hbm>>
      tpu.enqueue_indirect_dma source(%dma_start3A_24 : memref<10240x128xf32, #tpu.memory_space<hbm>>) target(%arg10 : memref<128x128xf32, #tpu.memory_space<vmem>>) offsets(%arg6 : memref<128xi32, #tpu.memory_space<vmem>>) semaphore(%arg16 : memref<!tpu.dma_semaphore, #tpu.memory_space<semaphore_mem>>)
      %dma_wait3A = arith.constant 0 : i32
      %dma_wait3A_25 = arith.constant 0 : i32
      %dma_wait3A_26 = tpu.memref_slice %arg2[%dma_wait3A, %dma_wait3A_25] : memref<10240x128xf32, #tpu.memory_space<hbm>> -> memref<10240x128xf32, #tpu.memory_space<hbm>>
      tpu.wait_indirect_dma semaphore(%arg16 : memref<!tpu.dma_semaphore, #tpu.memory_space<semaphore_mem>>) src(%dma_wait3A_26 : memref<10240x128xf32, #tpu.memory_space<hbm>>) dst(%arg10 : memref<128x128xf32, #tpu.memory_space<vmem>>)
      "tpu.region"() ({
        %run_scoped3A = tpu.sem_alloc : memref<!tpu.dma_semaphore, #tpu.memory_space<semaphore_mem>>
        %dma_start3A_27 = arith.constant 0 : i32
        %dma_start3A_28 = arith.constant 0 : i32
        %dma_start3A_29 = tpu.memref_slice %arg18[%dma_start3A_27, %dma_start3A_28] : memref<10240x128xf32, #tpu.memory_space<vmem_shared>> -> memref<10240x128xf32, #tpu.memory_space<vmem_shared>>
        tpu.enqueue_indirect_dma source(%arg10 : memref<128x128xf32, #tpu.memory_space<vmem>>) target(%dma_start3A_29 : memref<10240x128xf32, #tpu.memory_space<vmem_shared>>) offsets(%arg8 : memref<128xi32, #tpu.memory_space<vmem>>) semaphore(%run_scoped3A : memref<!tpu.dma_semaphore, #tpu.memory_space<semaphore_mem>>) {add = true}
        %dma_wait3A_30 = arith.constant 0 : i32
        %dma_wait3A_31 = arith.constant 0 : i32
        %dma_wait3A_32 = tpu.memref_slice %arg18[%dma_wait3A_30, %dma_wait3A_31] : memref<10240x128xf32, #tpu.memory_space<vmem_shared>> -> memref<10240x128xf32, #tpu.memory_space<vmem_shared>>
        tpu.wait_indirect_dma semaphore(%run_scoped3A : memref<!tpu.dma_semaphore, #tpu.memory_space<semaphore_mem>>) src(%arg10 : memref<128x128xf32, #tpu.memory_space<vmem>>) dst(%dma_wait3A_32 : memref<10240x128xf32, #tpu.memory_space<vmem_shared>>)
        tpu.yield
      }) : () -> ()
    }
    %scan3A_14 = arith.constant 80 : i32
    %barrier3A_15 = arith.constant 0 : index
    tpu.barrier barrier_id(%barrier3A_15)
    "tpu.region"() ({
      %run_scoped3A = tpu.sem_alloc : memref<!tpu.dma_semaphore, #tpu.memory_space<semaphore_mem>>
      %dma_start3A = arith.constant 0 : i32
      %dma_start3A_16 = tpu.memref_slice %arg5[%arg0, %mul3A_0, %dma_start3A] : memref<2x10240x128xf32, #tpu.memory_space<hbm>> -> memref<1x640x128xf32, #tpu.memory_space<hbm>>
      %dma_start3A_17 = tpu.memref_squeeze %dma_start3A_16 : memref<1x640x128xf32, #tpu.memory_space<hbm>> -> memref<640x128xf32, #tpu.memory_space<hbm>>
      %dma_start3A_18 = arith.constant 0 : i32
      %dma_start3A_19 = tpu.memref_slice %arg18[%mul3A_0, %dma_start3A_18] : memref<10240x128xf32, #tpu.memory_space<vmem_shared>> -> memref<640x128xf32, #tpu.memory_space<vmem_shared>>
      tpu.enqueue_dma source(%dma_start3A_19 : memref<640x128xf32, #tpu.memory_space<vmem_shared>>) target(%dma_start3A_17 : memref<640x128xf32, #tpu.memory_space<hbm>>) target_semaphore(%run_scoped3A : memref<!tpu.dma_semaphore, #tpu.memory_space<semaphore_mem>>)
      %dma_wait3A = arith.constant 0 : i32
      %dma_wait3A_20 = tpu.memref_slice %arg5[%arg0, %mul3A_0, %dma_wait3A] : memref<2x10240x128xf32, #tpu.memory_space<hbm>> -> memref<1x640x128xf32, #tpu.memory_space<hbm>>
      %dma_wait3A_21 = tpu.memref_squeeze %dma_wait3A_20 : memref<1x640x128xf32, #tpu.memory_space<hbm>> -> memref<640x128xf32, #tpu.memory_space<hbm>>
      %dma_wait3A_22 = arith.constant 0 : i32
      %dma_wait3A_23 = tpu.memref_slice %arg18[%mul3A_0, %dma_wait3A_22] : memref<10240x128xf32, #tpu.memory_space<vmem_shared>> -> memref<640x128xf32, #tpu.memory_space<vmem_shared>>
      tpu.wait_dma2 semaphore(%run_scoped3A : memref<!tpu.dma_semaphore, #tpu.memory_space<semaphore_mem>>) src(%dma_wait3A_23 : memref<640x128xf32, #tpu.memory_space<vmem_shared>>) dst(%dma_wait3A_21 : memref<640x128xf32, #tpu.memory_space<hbm>>)
      tpu.yield
    }) : () -> ()
    return
  }
}

#map = affine_map<(d0, d1) -> (0, 0)>
#map1 = affine_map<(d0, d1) -> (0)>
#map2 = affine_map<(d0, d1) -> (0, 0, 0)>
module attributes {stable_mosaic.version = 14 : i64} {
  func.func @k(%arg0: i32, %arg1: i32, %arg2: memref<20480x128xf32, #tpu.memory_space<hbm>>, %arg3: memref<655360xi32, #tpu.memory_space<hbm>>, %arg4: memref<327680xi32, #tpu.memory_space<hbm>>, %arg5: memref<2x10240x128xf32, #tpu.memory_space<hbm>>, %arg6: memref<128xi32, #tpu.memory_space<vmem>>, %arg7: memref<128xi32, #tpu.memory_space<vmem>>, %arg8: memref<128xi32, #tpu.memory_space<vmem>>, %arg9: memref<128xi32, #tpu.memory_space<vmem>>, %arg10: memref<128x128xf32, #tpu.memory_space<vmem>>, %arg11: memref<128x128xf32, #tpu.memory_space<vmem>>, %arg12: memref<!tpu.dma_semaphore, #tpu.memory_space<semaphore_mem>>, %arg13: memref<!tpu.dma_semaphore, #tpu.memory_space<semaphore_mem>>, %arg14: memref<!tpu.dma_semaphore, #tpu.memory_space<semaphore_mem>>, %arg15: memref<!tpu.dma_semaphore, #tpu.memory_space<semaphore_mem>>, %arg16: memref<!tpu.dma_semaphore, #tpu.memory_space<semaphore_mem>>, %arg17: memref<!tpu.dma_semaphore, #tpu.memory_space<semaphore_mem>>, %arg18: memref<10240x128xf32, #tpu.memory_space<vmem_shared>>) attributes {dimension_semantics = [#tpu.dimension_semantics<core_parallel>, #tpu.dimension_semantics<subcore_parallel>], iteration_bounds = array<i64: 2, 16>, scalar_prefetch = 0 : i64, scratch_operands = 13 : i64, tpu.core_type = #tpu.core_type<sc_vector_subcore>, window_params = [{transform_indices = #map}, {transform_indices = #map1}, {transform_indices = #map1}, {transform_indices = #map2}]} {
    %mul3A = arith.constant 640 : i32
    %mul3A_0 = arith.muli %arg1, %mul3A : i32
    %mul3A_1 = arith.constant 327680 : i32
    %mul3A_2 = arith.muli %arg0, %mul3A_1 : i32
    %mul3A_3 = arith.constant 20480 : i32
    %mul3A_4 = arith.muli %arg1, %mul3A_3 : i32
    %add3A = arith.addi %mul3A_2, %mul3A_4 : i32
    %mul3A_5 = arith.constant 20480 : i32
    %mul3A_6 = arith.muli %arg1, %mul3A_5 : i32
    %add3A_7 = arith.constant 0 : i32
    %add3A_8 = arith.addi %add3A_7, %mul3A_6 : i32
    %mul3A_9 = arith.constant 10240 : i32
    %mul3A_10 = arith.muli %arg0, %mul3A_9 : i32
    %add3A_11 = arith.addi %mul3A_10, %mul3A_0 : i32
    "tpu.region"() ({
      %run_scoped3A = tpu.sem_alloc : memref<!tpu.dma_semaphore, #tpu.memory_space<semaphore_mem>>
      %dma_start3A = arith.constant 0 : i32
      %dma_start3A_18 = tpu.memref_slice %arg18[%mul3A_0, %dma_start3A] : memref<10240x128xf32, #tpu.memory_space<vmem_shared>> -> memref<640x128xf32, #tpu.memory_space<vmem_shared>>
      %dma_start3A_19 = arith.constant 0 : i32
      %dma_start3A_20 = tpu.memref_slice %arg2[%add3A_11, %dma_start3A_19] : memref<20480x128xf32, #tpu.memory_space<hbm>> -> memref<640x128xf32, #tpu.memory_space<hbm>>
      tpu.enqueue_dma source(%dma_start3A_20 : memref<640x128xf32, #tpu.memory_space<hbm>>) target(%dma_start3A_18 : memref<640x128xf32, #tpu.memory_space<vmem_shared>>) target_semaphore(%run_scoped3A : memref<!tpu.dma_semaphore, #tpu.memory_space<semaphore_mem>>)
      %dma_wait3A = arith.constant 0 : i32
      %dma_wait3A_21 = tpu.memref_slice %arg18[%mul3A_0, %dma_wait3A] : memref<10240x128xf32, #tpu.memory_space<vmem_shared>> -> memref<640x128xf32, #tpu.memory_space<vmem_shared>>
      %dma_wait3A_22 = arith.constant 0 : i32
      %dma_wait3A_23 = tpu.memref_slice %arg2[%add3A_11, %dma_wait3A_22] : memref<20480x128xf32, #tpu.memory_space<hbm>> -> memref<640x128xf32, #tpu.memory_space<hbm>>
      tpu.wait_dma2 semaphore(%run_scoped3A : memref<!tpu.dma_semaphore, #tpu.memory_space<semaphore_mem>>) src(%dma_wait3A_23 : memref<640x128xf32, #tpu.memory_space<hbm>>) dst(%dma_wait3A_21 : memref<640x128xf32, #tpu.memory_space<vmem_shared>>)
      tpu.yield
    }) : () -> ()
    %barrier3A = arith.constant 0 : index
    tpu.barrier barrier_id(%barrier3A)
    %scan3A = arith.constant 0 : i32
    %scan3A_12 = arith.constant 0 : i32
    %scan3A_13 = arith.constant 160 : i32
    %scan3A_14 = arith.addi %scan3A_12, %scan3A_13 : i32
    %scan3A_15 = arith.constant 1 : i32
    scf.for %scan3A_18 = %scan3A_12 to %scan3A_14 step %scan3A_15  : i32 {
      %mul3A_19 = arith.constant 128 : i32
      %mul3A_20 = arith.muli %scan3A_18, %mul3A_19 : i32
      %add3A_21 = arith.addi %add3A, %mul3A_20 : i32
      "tpu.region"() ({
        %run_scoped3A = tpu.sem_alloc : memref<!tpu.dma_semaphore, #tpu.memory_space<semaphore_mem>>
        %dma_start3A_29 = tpu.memref_slice %arg3[%add3A_21] : memref<655360xi32, #tpu.memory_space<hbm>> -> memref<128xi32, #tpu.memory_space<hbm>>
        %dma_start3A_30 = tpu.memref_slice %arg3[%add3A_21] : memref<655360xi32, #tpu.memory_space<hbm>> -> memref<128xi32, #tpu.memory_space<hbm>>
        tpu.enqueue_dma source(%dma_start3A_30 : memref<128xi32, #tpu.memory_space<hbm>>) target(%arg6 : memref<128xi32, #tpu.memory_space<vmem>>) target_semaphore(%run_scoped3A : memref<!tpu.dma_semaphore, #tpu.memory_space<semaphore_mem>>)
        %dma_wait3A_31 = tpu.memref_slice %arg3[%add3A_21] : memref<655360xi32, #tpu.memory_space<hbm>> -> memref<128xi32, #tpu.memory_space<hbm>>
        %dma_wait3A_32 = tpu.memref_slice %arg3[%add3A_21] : memref<655360xi32, #tpu.memory_space<hbm>> -> memref<128xi32, #tpu.memory_space<hbm>>
        tpu.wait_dma2 semaphore(%run_scoped3A : memref<!tpu.dma_semaphore, #tpu.memory_space<semaphore_mem>>) src(%dma_wait3A_32 : memref<128xi32, #tpu.memory_space<hbm>>) dst(%arg6 : memref<128xi32, #tpu.memory_space<vmem>>)
        tpu.yield
      }) : () -> ()
      %mul3A_22 = arith.constant 128 : i32
      %mul3A_23 = arith.muli %scan3A_18, %mul3A_22 : i32
      %add3A_24 = arith.addi %add3A_8, %mul3A_23 : i32
      "tpu.region"() ({
        %run_scoped3A = tpu.sem_alloc : memref<!tpu.dma_semaphore, #tpu.memory_space<semaphore_mem>>
        %dma_start3A_29 = tpu.memref_slice %arg4[%add3A_24] : memref<327680xi32, #tpu.memory_space<hbm>> -> memref<128xi32, #tpu.memory_space<hbm>>
        %dma_start3A_30 = tpu.memref_slice %arg4[%add3A_24] : memref<327680xi32, #tpu.memory_space<hbm>> -> memref<128xi32, #tpu.memory_space<hbm>>
        tpu.enqueue_dma source(%dma_start3A_30 : memref<128xi32, #tpu.memory_space<hbm>>) target(%arg8 : memref<128xi32, #tpu.memory_space<vmem>>) target_semaphore(%run_scoped3A : memref<!tpu.dma_semaphore, #tpu.memory_space<semaphore_mem>>)
        %dma_wait3A_31 = tpu.memref_slice %arg4[%add3A_24] : memref<327680xi32, #tpu.memory_space<hbm>> -> memref<128xi32, #tpu.memory_space<hbm>>
        %dma_wait3A_32 = tpu.memref_slice %arg4[%add3A_24] : memref<327680xi32, #tpu.memory_space<hbm>> -> memref<128xi32, #tpu.memory_space<hbm>>
        tpu.wait_dma2 semaphore(%run_scoped3A : memref<!tpu.dma_semaphore, #tpu.memory_space<semaphore_mem>>) src(%dma_wait3A_32 : memref<128xi32, #tpu.memory_space<hbm>>) dst(%arg8 : memref<128xi32, #tpu.memory_space<vmem>>)
        tpu.yield
      }) : () -> ()
      %dma_start3A = arith.constant 0 : i32
      %dma_start3A_25 = arith.constant 0 : i32
      %dma_start3A_26 = tpu.memref_slice %arg2[%dma_start3A, %dma_start3A_25] : memref<20480x128xf32, #tpu.memory_space<hbm>> -> memref<20480x128xf32, #tpu.memory_space<hbm>>
      tpu.enqueue_indirect_dma source(%dma_start3A_26 : memref<20480x128xf32, #tpu.memory_space<hbm>>) target(%arg10 : memref<128x128xf32, #tpu.memory_space<vmem>>) offsets(%arg6 : memref<128xi32, #tpu.memory_space<vmem>>) semaphore(%arg16 : memref<!tpu.dma_semaphore, #tpu.memory_space<semaphore_mem>>)
      %dma_wait3A = arith.constant 0 : i32
      %dma_wait3A_27 = arith.constant 0 : i32
      %dma_wait3A_28 = tpu.memref_slice %arg2[%dma_wait3A, %dma_wait3A_27] : memref<20480x128xf32, #tpu.memory_space<hbm>> -> memref<20480x128xf32, #tpu.memory_space<hbm>>
      tpu.wait_indirect_dma semaphore(%arg16 : memref<!tpu.dma_semaphore, #tpu.memory_space<semaphore_mem>>) src(%dma_wait3A_28 : memref<20480x128xf32, #tpu.memory_space<hbm>>) dst(%arg10 : memref<128x128xf32, #tpu.memory_space<vmem>>)
      "tpu.region"() ({
        %run_scoped3A = tpu.sem_alloc : memref<!tpu.dma_semaphore, #tpu.memory_space<semaphore_mem>>
        %dma_start3A_29 = arith.constant 0 : i32
        %dma_start3A_30 = arith.constant 0 : i32
        %dma_start3A_31 = tpu.memref_slice %arg18[%dma_start3A_29, %dma_start3A_30] : memref<10240x128xf32, #tpu.memory_space<vmem_shared>> -> memref<10240x128xf32, #tpu.memory_space<vmem_shared>>
        tpu.enqueue_indirect_dma source(%arg10 : memref<128x128xf32, #tpu.memory_space<vmem>>) target(%dma_start3A_31 : memref<10240x128xf32, #tpu.memory_space<vmem_shared>>) offsets(%arg8 : memref<128xi32, #tpu.memory_space<vmem>>) semaphore(%run_scoped3A : memref<!tpu.dma_semaphore, #tpu.memory_space<semaphore_mem>>) {add = true}
        %dma_wait3A_32 = arith.constant 0 : i32
        %dma_wait3A_33 = arith.constant 0 : i32
        %dma_wait3A_34 = tpu.memref_slice %arg18[%dma_wait3A_32, %dma_wait3A_33] : memref<10240x128xf32, #tpu.memory_space<vmem_shared>> -> memref<10240x128xf32, #tpu.memory_space<vmem_shared>>
        tpu.wait_indirect_dma semaphore(%run_scoped3A : memref<!tpu.dma_semaphore, #tpu.memory_space<semaphore_mem>>) src(%arg10 : memref<128x128xf32, #tpu.memory_space<vmem>>) dst(%dma_wait3A_34 : memref<10240x128xf32, #tpu.memory_space<vmem_shared>>)
        tpu.yield
      }) : () -> ()
    }
    %scan3A_16 = arith.constant 160 : i32
    %barrier3A_17 = arith.constant 0 : index
    tpu.barrier barrier_id(%barrier3A_17)
    "tpu.region"() ({
      %run_scoped3A = tpu.sem_alloc : memref<!tpu.dma_semaphore, #tpu.memory_space<semaphore_mem>>
      %dma_start3A = arith.constant 0 : i32
      %dma_start3A_18 = tpu.memref_slice %arg5[%arg0, %mul3A_0, %dma_start3A] : memref<2x10240x128xf32, #tpu.memory_space<hbm>> -> memref<1x640x128xf32, #tpu.memory_space<hbm>>
      %dma_start3A_19 = tpu.memref_squeeze %dma_start3A_18 : memref<1x640x128xf32, #tpu.memory_space<hbm>> -> memref<640x128xf32, #tpu.memory_space<hbm>>
      %dma_start3A_20 = arith.constant 0 : i32
      %dma_start3A_21 = tpu.memref_slice %arg18[%mul3A_0, %dma_start3A_20] : memref<10240x128xf32, #tpu.memory_space<vmem_shared>> -> memref<640x128xf32, #tpu.memory_space<vmem_shared>>
      tpu.enqueue_dma source(%dma_start3A_21 : memref<640x128xf32, #tpu.memory_space<vmem_shared>>) target(%dma_start3A_19 : memref<640x128xf32, #tpu.memory_space<hbm>>) target_semaphore(%run_scoped3A : memref<!tpu.dma_semaphore, #tpu.memory_space<semaphore_mem>>)
      %dma_wait3A = arith.constant 0 : i32
      %dma_wait3A_22 = tpu.memref_slice %arg5[%arg0, %mul3A_0, %dma_wait3A] : memref<2x10240x128xf32, #tpu.memory_space<hbm>> -> memref<1x640x128xf32, #tpu.memory_space<hbm>>
      %dma_wait3A_23 = tpu.memref_squeeze %dma_wait3A_22 : memref<1x640x128xf32, #tpu.memory_space<hbm>> -> memref<640x128xf32, #tpu.memory_space<hbm>>
      %dma_wait3A_24 = arith.constant 0 : i32
      %dma_wait3A_25 = tpu.memref_slice %arg18[%mul3A_0, %dma_wait3A_24] : memref<10240x128xf32, #tpu.memory_space<vmem_shared>> -> memref<640x128xf32, #tpu.memory_space<vmem_shared>>
      tpu.wait_dma2 semaphore(%run_scoped3A : memref<!tpu.dma_semaphore, #tpu.memory_space<semaphore_mem>>) src(%dma_wait3A_25 : memref<640x128xf32, #tpu.memory_space<vmem_shared>>) dst(%dma_wait3A_23 : memref<640x128xf32, #tpu.memory_space<hbm>>)
      tpu.yield
    }) : () -> ()
    return
  }
}

module attributes {stable_mosaic.version = 14 : i64} {
  func.func @_prep_body(%arg0: i32, %arg1: memref<1024x128xf32, #tpu.memory_space<vmem>>, %arg2: memref<1024x128xf32, #tpu.memory_space<vmem>>, %arg3: memref<1024x128xf32, #tpu.memory_space<vmem>>, %arg4: memref<1024x1xf32, #tpu.memory_space<vmem>>, %arg5: memref<1024x128xf32, #tpu.memory_space<vmem>>) attributes {dimension_semantics = [#tpu.dimension_semantics<arbitrary>], iteration_bounds = array<i64: 10>, scalar_prefetch = 0 : i64, scratch_operands = 0 : i64, tpu.core_type = #tpu.core_type<tc>, window_params = [{transform_indices = @transform_0, window_bounds = array<i64: 1024, 128>}, {transform_indices = @transform_1, window_bounds = array<i64: 1024, 128>}, {transform_indices = @transform_2, window_bounds = array<i64: 1024, 128>}, {transform_indices = @transform_3, window_bounds = array<i64: 1024, 1>}, {transform_indices = @transform_4, window_bounds = array<i64: 1024, 128>}]} {
    %get3A = arith.constant 0 : index
    %get3A_0 = arith.constant 0 : index
    %get3A_1 = vector.load %arg1[%get3A, %get3A_0] : memref<1024x128xf32, #tpu.memory_space<vmem>>, vector<1024x1xf32>
    %get3A_2 = arith.constant 0 : index
    %get3A_3 = arith.constant 0 : index
    %get3A_4 = vector.load %arg2[%get3A_2, %get3A_3] : memref<1024x128xf32, #tpu.memory_space<vmem>>, vector<1024x1xf32>
    %add3A = arith.addf %get3A_1, %get3A_4 : vector<1024x1xf32>
    %add3A_5 = arith.constant 1.000000e+00 : f32
    %add3A_6 = vector.broadcast %add3A_5 : f32 to vector<1024x1xf32>
    %add3A_7 = arith.addf %add3A, %add3A_6 : vector<1024x1xf32>
    %rsqrt3A = math.rsqrt %add3A_7 : vector<1024x1xf32>
    %swap3A = arith.constant 0 : index
    %swap3A_8 = arith.constant 0 : index
    %swap3A_9 = vector.load %arg4[%swap3A, %swap3A_8] : memref<1024x1xf32, #tpu.memory_space<vmem>>, vector<1024x1xf32>
    tpu.vector_store %arg4[%swap3A, %swap3A_8], %rsqrt3A {strides = array<i32>} : memref<1024x1xf32, #tpu.memory_space<vmem>>, vector<1024x1xf32>,
    %get3A_10 = arith.constant 0 : index
    %get3A_11 = arith.constant 0 : index
    %get3A_12 = vector.load %arg3[%get3A_10, %get3A_11] : memref<1024x128xf32, #tpu.memory_space<vmem>>, vector<1024x128xf32>
    %mul3A = vector.broadcast %rsqrt3A : vector<1024x1xf32> to vector<1024x128xf32>
    %mul3A_13 = arith.mulf %get3A_12, %mul3A : vector<1024x128xf32>
    %swap3A_14 = arith.constant 0 : index
    %swap3A_15 = arith.constant 0 : index
    %swap3A_16 = vector.load %arg5[%swap3A_14, %swap3A_15] : memref<1024x128xf32, #tpu.memory_space<vmem>>, vector<1024x128xf32>
    tpu.vector_store %arg5[%swap3A_14, %swap3A_15], %mul3A_13 {strides = array<i32>} : memref<1024x128xf32, #tpu.memory_space<vmem>>, vector<1024x128xf32>,
    return
  }
  func.func @transform_0(%arg0: i32) -> (i32, i32) {
    %c0_i32 = arith.constant 0 : i32
    %c0_i32_0 = arith.constant 0 : i32
    return %arg0, %c0_i32 : i32, i32
  }
  func.func @transform_1(%arg0: i32) -> (i32, i32) {
    %c0_i32 = arith.constant 0 : i32
    %c0_i32_0 = arith.constant 0 : i32
    return %arg0, %c0_i32 : i32, i32
  }
  func.func @transform_2(%arg0: i32) -> (i32, i32) {
    %c0_i32 = arith.constant 0 : i32
    %c0_i32_0 = arith.constant 0 : i32
    return %arg0, %c0_i32 : i32, i32
  }
  func.func @transform_3(%arg0: i32) -> (i32, i32) {
    %c0_i32 = arith.constant 0 : i32
    %c0_i32_0 = arith.constant 0 : i32
    return %arg0, %c0_i32 : i32, i32
  }
  func.func @transform_4(%arg0: i32) -> (i32, i32) {
    %c0_i32 = arith.constant 0 : i32
    %c0_i32_0 = arith.constant 0 : i32
    return %arg0, %c0_i32 : i32, i32
  }
}

module attributes {stable_mosaic.version = 14 : i64} {
  func.func @_layer1_body(%arg0: i32, %arg1: memref<2x1024x128xf32, #tpu.memory_space<vmem>>, %arg2: memref<1024x128xf32, #tpu.memory_space<vmem>>, %arg3: memref<1024x1xf32, #tpu.memory_space<vmem>>, %arg4: memref<128x256xf32, #tpu.memory_space<vmem>>, %arg5: memref<1x256xf32, #tpu.memory_space<vmem>>, %arg6: memref<2x1024x128xf32, #tpu.memory_space<vmem>>) attributes {dimension_semantics = [#tpu.dimension_semantics<arbitrary>], iteration_bounds = array<i64: 10>, scalar_prefetch = 0 : i64, scratch_operands = 0 : i64, tpu.core_type = #tpu.core_type<tc>, window_params = [{transform_indices = @transform_0, window_bounds = array<i64: 2, 1024, 128>}, {transform_indices = @transform_1, window_bounds = array<i64: 1024, 128>}, {transform_indices = @transform_2, window_bounds = array<i64: 1024, 1>}, {pipeline_mode = #tpu.pipeline_mode<synchronous>, transform_indices = @transform_3, window_bounds = array<i64: 128, 256>}, {pipeline_mode = #tpu.pipeline_mode<synchronous>, transform_indices = @transform_4, window_bounds = array<i64: 1, 256>}, {transform_indices = @transform_5, window_bounds = array<i64: 2, 1024, 128>}]} {
    %get3A = arith.constant 0 : index
    %get3A_0 = arith.constant 0 : index
    %get3A_1 = vector.load %arg3[%get3A, %get3A_0] : memref<1024x1xf32, #tpu.memory_space<vmem>>, vector<1024x1xf32>
    %get3A_2 = arith.constant 0 : index
    %get3A_3 = arith.constant 0 : index
    %get3A_4 = arith.constant 0 : index
    %get3A_5 = vector.load %arg1[%get3A_2, %get3A_3, %get3A_4] : memref<2x1024x128xf32, #tpu.memory_space<vmem>>, vector<1x1024x128xf32>
    %get3A_6 = vector.shape_cast %get3A_5 : vector<1x1024x128xf32> to vector<1024x128xf32>
    %get3A_7 = arith.constant 1 : index
    %get3A_8 = arith.constant 0 : index
    %get3A_9 = arith.constant 0 : index
    %get3A_10 = vector.load %arg1[%get3A_7, %get3A_8, %get3A_9] : memref<2x1024x128xf32, #tpu.memory_space<vmem>>, vector<1x1024x128xf32>
    %get3A_11 = vector.shape_cast %get3A_10 : vector<1x1024x128xf32> to vector<1024x128xf32>
    %add3A = arith.addf %get3A_6, %get3A_11 : vector<1024x128xf32>
    %get3A_12 = arith.constant 0 : index
    %get3A_13 = arith.constant 0 : index
    %get3A_14 = vector.load %arg2[%get3A_12, %get3A_13] : memref<1024x128xf32, #tpu.memory_space<vmem>>, vector<1024x128xf32>
    %sub3A = arith.subf %add3A, %get3A_14 : vector<1024x128xf32>
    %mul3A = vector.broadcast %get3A_1 : vector<1024x1xf32> to vector<1024x128xf32>
    %mul3A_15 = arith.mulf %sub3A, %mul3A : vector<1024x128xf32>
    %get3A_16 = arith.constant 0 : index
    %get3A_17 = arith.constant 0 : index
    %get3A_18 = vector.load %arg4[%get3A_16, %get3A_17] : memref<128x256xf32, #tpu.memory_space<vmem>>, vector<128x256xf32>
    %dot_general3A = arith.constant dense<0.000000e+00> : vector<1024x256xf32>
    %dot_general3A_19 = tpu.matmul %mul3A_15, %get3A_18, %dot_general3A {dimension_numbers = #tpu.dot_dimension_numbers<[1], [0], [0], [1], [0, 0, 1, 1], [], []>, transpose_lhs_hint = false} : vector<1024x128xf32>, vector<128x256xf32>, vector<1024x256xf32> -> vector<1024x256xf32>
    %get3A_20 = arith.constant 0 : index
    %get3A_21 = arith.constant 0 : index
    %get3A_22 = vector.load %arg5[%get3A_20, %get3A_21] : memref<1x256xf32, #tpu.memory_space<vmem>>, vector<1x256xf32>
    %add3A_23 = vector.broadcast %get3A_22 : vector<1x256xf32> to vector<1024x256xf32>
    %add3A_24 = arith.addf %dot_general3A_19, %add3A_23 : vector<1024x256xf32>
    %max3A = arith.constant 0.000000e+00 : f32
    %max3A_25 = vector.broadcast %max3A : f32 to vector<1024x256xf32>
    %max3A_26 = arith.maximumf %add3A_24, %max3A_25 : vector<1024x256xf32>
    %mul3A_27 = vector.broadcast %get3A_1 : vector<1024x1xf32> to vector<1024x256xf32>
    %mul3A_28 = arith.mulf %max3A_26, %mul3A_27 : vector<1024x256xf32>
    %slice3A = vector.extract_strided_slice %mul3A_28 {offsets = [0, 0], sizes = [1024, 128], strides = [1, 1]} : vector<1024x256xf32> to vector<1024x128xf32>
    %swap3A = arith.constant 0 : index
    %swap3A_29 = arith.constant 0 : index
    %swap3A_30 = arith.constant 0 : index
    %swap3A_31 = vector.load %arg6[%swap3A, %swap3A_29, %swap3A_30] : memref<2x1024x128xf32, #tpu.memory_space<vmem>>, vector<1x1024x128xf32>
    %swap3A_32 = vector.shape_cast %swap3A_31 : vector<1x1024x128xf32> to vector<1024x128xf32>
    %swap3A_33 = vector.shape_cast %slice3A : vector<1024x128xf32> to vector<1x1024x128xf32>
    tpu.vector_store %arg6[%swap3A, %swap3A_29, %swap3A_30], %swap3A_33 {strides = array<i32>} : memref<2x1024x128xf32, #tpu.memory_space<vmem>>, vector<1x1024x128xf32>,
    %slice3A_34 = vector.extract_strided_slice %mul3A_28 {offsets = [0, 128], sizes = [1024, 128], strides = [1, 1]} : vector<1024x256xf32> to vector<1024x128xf32>
    %swap3A_35 = arith.constant 1 : index
    %swap3A_36 = arith.constant 0 : index
    %swap3A_37 = arith.constant 0 : index
    %swap3A_38 = vector.load %arg6[%swap3A_35, %swap3A_36, %swap3A_37] : memref<2x1024x128xf32, #tpu.memory_space<vmem>>, vector<1x1024x128xf32>
    %swap3A_39 = vector.shape_cast %swap3A_38 : vector<1x1024x128xf32> to vector<1024x128xf32>
    %swap3A_40 = vector.shape_cast %slice3A_34 : vector<1024x128xf32> to vector<1x1024x128xf32>
    tpu.vector_store %arg6[%swap3A_35, %swap3A_36, %swap3A_37], %swap3A_40 {strides = array<i32>} : memref<2x1024x128xf32, #tpu.memory_space<vmem>>, vector<1x1024x128xf32>,
    return
  }
  func.func @transform_0(%arg0: i32) -> (i32, i32, i32) {
    %c0_i32 = arith.constant 0 : i32
    %c0_i32_0 = arith.constant 0 : i32
    %c0_i32_1 = arith.constant 0 : i32
    return %c0_i32, %arg0, %c0_i32_0 : i32, i32, i32
  }
  func.func @transform_1(%arg0: i32) -> (i32, i32) {
    %c0_i32 = arith.constant 0 : i32
    %c0_i32_0 = arith.constant 0 : i32
    return %arg0, %c0_i32 : i32, i32
  }
  func.func @transform_2(%arg0: i32) -> (i32, i32) {
    %c0_i32 = arith.constant 0 : i32
    %c0_i32_0 = arith.constant 0 : i32
    return %arg0, %c0_i32 : i32, i32
  }
  func.func @transform_3(%arg0: i32) -> (i32, i32) {
    %c0_i32 = arith.constant 0 : i32
    %c0_i32_0 = arith.constant 0 : i32
    %c0_i32_1 = arith.constant 0 : i32
    return %c0_i32, %c0_i32_0 : i32, i32
  }
  func.func @transform_4(%arg0: i32) -> (i32, i32) {
    %c0_i32 = arith.constant 0 : i32
    %c0_i32_0 = arith.constant 0 : i32
    %c0_i32_1 = arith.constant 0 : i32
    return %c0_i32, %c0_i32_0 : i32, i32
  }
  func.func @transform_5(%arg0: i32) -> (i32, i32, i32) {
    %c0_i32 = arith.constant 0 : i32
    %c0_i32_0 = arith.constant 0 : i32
    %c0_i32_1 = arith.constant 0 : i32
    return %c0_i32, %arg0, %c0_i32_0 : i32, i32, i32
  }
}

module attributes {stable_mosaic.version = 14 : i64} {
  func.func @_layer2_body(%arg0: i32, %arg1: memref<2x1024x128xf32, #tpu.memory_space<vmem>>, %arg2: memref<1024x1xf32, #tpu.memory_space<vmem>>, %arg3: memref<256x256xf32, #tpu.memory_space<vmem>>, %arg4: memref<1x256xf32, #tpu.memory_space<vmem>>, %arg5: memref<2x1024x128xf32, #tpu.memory_space<vmem>>) attributes {dimension_semantics = [#tpu.dimension_semantics<arbitrary>], iteration_bounds = array<i64: 10>, scalar_prefetch = 0 : i64, scratch_operands = 0 : i64, tpu.core_type = #tpu.core_type<tc>, window_params = [{transform_indices = @transform_0, window_bounds = array<i64: 2, 1024, 128>}, {transform_indices = @transform_1, window_bounds = array<i64: 1024, 1>}, {pipeline_mode = #tpu.pipeline_mode<synchronous>, transform_indices = @transform_2, window_bounds = array<i64: 256, 256>}, {pipeline_mode = #tpu.pipeline_mode<synchronous>, transform_indices = @transform_3, window_bounds = array<i64: 1, 256>}, {transform_indices = @transform_4, window_bounds = array<i64: 2, 1024, 128>}]} {
    %get3A = arith.constant 0 : index
    %get3A_0 = arith.constant 0 : index
    %get3A_1 = vector.load %arg2[%get3A, %get3A_0] : memref<1024x1xf32, #tpu.memory_space<vmem>>, vector<1024x1xf32>
    %get3A_2 = arith.constant 0 : index
    %get3A_3 = arith.constant 0 : index
    %get3A_4 = arith.constant 0 : index
    %get3A_5 = vector.load %arg1[%get3A_2, %get3A_3, %get3A_4] : memref<2x1024x128xf32, #tpu.memory_space<vmem>>, vector<1x1024x128xf32>
    %get3A_6 = vector.shape_cast %get3A_5 : vector<1x1024x128xf32> to vector<1024x128xf32>
    %mul3A = vector.broadcast %get3A_1 : vector<1024x1xf32> to vector<1024x128xf32>
    %mul3A_7 = arith.mulf %get3A_6, %mul3A : vector<1024x128xf32>
    %get3A_8 = arith.constant 1 : index
    %get3A_9 = arith.constant 0 : index
    %get3A_10 = arith.constant 0 : index
    %get3A_11 = vector.load %arg1[%get3A_8, %get3A_9, %get3A_10] : memref<2x1024x128xf32, #tpu.memory_space<vmem>>, vector<1x1024x128xf32>
    %get3A_12 = vector.shape_cast %get3A_11 : vector<1x1024x128xf32> to vector<1024x128xf32>
    %mul3A_13 = vector.broadcast %get3A_1 : vector<1024x1xf32> to vector<1024x128xf32>
    %mul3A_14 = arith.mulf %get3A_12, %mul3A_13 : vector<1024x128xf32>
    %get3A_15 = arith.constant 0 : index
    %get3A_16 = arith.constant 0 : index
    %get3A_17 = vector.load %arg3[%get3A_15, %get3A_16] : memref<256x256xf32, #tpu.memory_space<vmem>>, vector<128x256xf32>
    %dot_general3A = arith.constant dense<0.000000e+00> : vector<1024x256xf32>
    %dot_general3A_18 = tpu.matmul %mul3A_7, %get3A_17, %dot_general3A {dimension_numbers = #tpu.dot_dimension_numbers<[1], [0], [0], [1], [0, 0, 1, 1], [], []>, transpose_lhs_hint = false} : vector<1024x128xf32>, vector<128x256xf32>, vector<1024x256xf32> -> vector<1024x256xf32>
    %get3A_19 = arith.constant 128 : index
    %get3A_20 = arith.constant 0 : index
    %get3A_21 = vector.load %arg3[%get3A_19, %get3A_20] : memref<256x256xf32, #tpu.memory_space<vmem>>, vector<128x256xf32>
    %dot_general3A_22 = arith.constant dense<0.000000e+00> : vector<1024x256xf32>
    %dot_general3A_23 = tpu.matmul %mul3A_14, %get3A_21, %dot_general3A_22 {dimension_numbers = #tpu.dot_dimension_numbers<[1], [0], [0], [1], [0, 0, 1, 1], [], []>, transpose_lhs_hint = false} : vector<1024x128xf32>, vector<128x256xf32>, vector<1024x256xf32> -> vector<1024x256xf32>
    %add3A = arith.addf %dot_general3A_18, %dot_general3A_23 : vector<1024x256xf32>
    %get3A_24 = arith.constant 0 : index
    %get3A_25 = arith.constant 0 : index
    %get3A_26 = vector.load %arg4[%get3A_24, %get3A_25] : memref<1x256xf32, #tpu.memory_space<vmem>>, vector<1x256xf32>
    %add3A_27 = vector.broadcast %get3A_26 : vector<1x256xf32> to vector<1024x256xf32>
    %add3A_28 = arith.addf %add3A, %add3A_27 : vector<1024x256xf32>
    %max3A = arith.constant 0.000000e+00 : f32
    %max3A_29 = vector.broadcast %max3A : f32 to vector<1024x256xf32>
    %max3A_30 = arith.maximumf %add3A_28, %max3A_29 : vector<1024x256xf32>
    %mul3A_31 = vector.broadcast %get3A_1 : vector<1024x1xf32> to vector<1024x256xf32>
    %mul3A_32 = arith.mulf %max3A_30, %mul3A_31 : vector<1024x256xf32>
    %slice3A = vector.extract_strided_slice %mul3A_32 {offsets = [0, 0], sizes = [1024, 128], strides = [1, 1]} : vector<1024x256xf32> to vector<1024x128xf32>
    %swap3A = arith.constant 0 : index
    %swap3A_33 = arith.constant 0 : index
    %swap3A_34 = arith.constant 0 : index
    %swap3A_35 = vector.load %arg5[%swap3A, %swap3A_33, %swap3A_34] : memref<2x1024x128xf32, #tpu.memory_space<vmem>>, vector<1x1024x128xf32>
    %swap3A_36 = vector.shape_cast %swap3A_35 : vector<1x1024x128xf32> to vector<1024x128xf32>
    %swap3A_37 = vector.shape_cast %slice3A : vector<1024x128xf32> to vector<1x1024x128xf32>
    tpu.vector_store %arg5[%swap3A, %swap3A_33, %swap3A_34], %swap3A_37 {strides = array<i32>} : memref<2x1024x128xf32, #tpu.memory_space<vmem>>, vector<1x1024x128xf32>,
    %slice3A_38 = vector.extract_strided_slice %mul3A_32 {offsets = [0, 128], sizes = [1024, 128], strides = [1, 1]} : vector<1024x256xf32> to vector<1024x128xf32>
    %swap3A_39 = arith.constant 1 : index
    %swap3A_40 = arith.constant 0 : index
    %swap3A_41 = arith.constant 0 : index
    %swap3A_42 = vector.load %arg5[%swap3A_39, %swap3A_40, %swap3A_41] : memref<2x1024x128xf32, #tpu.memory_space<vmem>>, vector<1x1024x128xf32>
    %swap3A_43 = vector.shape_cast %swap3A_42 : vector<1x1024x128xf32> to vector<1024x128xf32>
    %swap3A_44 = vector.shape_cast %slice3A_38 : vector<1024x128xf32> to vector<1x1024x128xf32>
    tpu.vector_store %arg5[%swap3A_39, %swap3A_40, %swap3A_41], %swap3A_44 {strides = array<i32>} : memref<2x1024x128xf32, #tpu.memory_space<vmem>>, vector<1x1024x128xf32>,
    return
  }
  func.func @transform_0(%arg0: i32) -> (i32, i32, i32) {
    %c0_i32 = arith.constant 0 : i32
    %c0_i32_0 = arith.constant 0 : i32
    %c0_i32_1 = arith.constant 0 : i32
    return %c0_i32, %arg0, %c0_i32_0 : i32, i32, i32
  }
  func.func @transform_1(%arg0: i32) -> (i32, i32) {
    %c0_i32 = arith.constant 0 : i32
    %c0_i32_0 = arith.constant 0 : i32
    return %arg0, %c0_i32 : i32, i32
  }
  func.func @transform_2(%arg0: i32) -> (i32, i32) {
    %c0_i32 = arith.constant 0 : i32
    %c0_i32_0 = arith.constant 0 : i32
    %c0_i32_1 = arith.constant 0 : i32
    return %c0_i32, %c0_i32_0 : i32, i32
  }
  func.func @transform_3(%arg0: i32) -> (i32, i32) {
    %c0_i32 = arith.constant 0 : i32
    %c0_i32_0 = arith.constant 0 : i32
    %c0_i32_1 = arith.constant 0 : i32
    return %c0_i32, %c0_i32_0 : i32, i32
  }
  func.func @transform_4(%arg0: i32) -> (i32, i32, i32) {
    %c0_i32 = arith.constant 0 : i32
    %c0_i32_0 = arith.constant 0 : i32
    %c0_i32_1 = arith.constant 0 : i32
    return %c0_i32, %arg0, %c0_i32_0 : i32, i32, i32
  }
}

module attributes {stable_mosaic.version = 14 : i64} {
  func.func @_tail_body(%arg0: i32, %arg1: memref<2x1024x128xf32, #tpu.memory_space<vmem>>, %arg2: memref<1024x1xf32, #tpu.memory_space<vmem>>, %arg3: memref<256x256xf32, #tpu.memory_space<vmem>>, %arg4: memref<1x256xf32, #tpu.memory_space<vmem>>, %arg5: memref<256x256xf32, #tpu.memory_space<vmem>>, %arg6: memref<1x256xf32, #tpu.memory_space<vmem>>, %arg7: memref<256x128xf32, #tpu.memory_space<vmem>>, %arg8: memref<1x128xf32, #tpu.memory_space<vmem>>, %arg9: memref<1024x128xf32, #tpu.memory_space<vmem>>) attributes {dimension_semantics = [#tpu.dimension_semantics<arbitrary>], iteration_bounds = array<i64: 10>, scalar_prefetch = 0 : i64, scratch_operands = 0 : i64, tpu.core_type = #tpu.core_type<tc>, window_params = [{transform_indices = @transform_0, window_bounds = array<i64: 2, 1024, 128>}, {transform_indices = @transform_1, window_bounds = array<i64: 1024, 1>}, {pipeline_mode = #tpu.pipeline_mode<synchronous>, transform_indices = @transform_2, window_bounds = array<i64: 256, 256>}, {pipeline_mode = #tpu.pipeline_mode<synchronous>, transform_indices = @transform_3, window_bounds = array<i64: 1, 256>}, {pipeline_mode = #tpu.pipeline_mode<synchronous>, transform_indices = @transform_4, window_bounds = array<i64: 256, 256>}, {pipeline_mode = #tpu.pipeline_mode<synchronous>, transform_indices = @transform_5, window_bounds = array<i64: 1, 256>}, {pipeline_mode = #tpu.pipeline_mode<synchronous>, transform_indices = @transform_6, window_bounds = array<i64: 256, 128>}, {pipeline_mode = #tpu.pipeline_mode<synchronous>, transform_indices = @transform_7, window_bounds = array<i64: 1, 128>}, {transform_indices = @transform_8, window_bounds = array<i64: 1024, 128>}]} {
    %get3A = arith.constant 0 : index
    %get3A_0 = arith.constant 0 : index
    %get3A_1 = vector.load %arg2[%get3A, %get3A_0] : memref<1024x1xf32, #tpu.memory_space<vmem>>, vector<1024x1xf32>
    %get3A_2 = arith.constant 0 : index
    %get3A_3 = arith.constant 0 : index
    %get3A_4 = arith.constant 0 : index
    %get3A_5 = vector.load %arg1[%get3A_2, %get3A_3, %get3A_4] : memref<2x1024x128xf32, #tpu.memory_space<vmem>>, vector<1x1024x128xf32>
    %get3A_6 = vector.shape_cast %get3A_5 : vector<1x1024x128xf32> to vector<1024x128xf32>
    %mul3A = vector.broadcast %get3A_1 : vector<1024x1xf32> to vector<1024x128xf32>
    %mul3A_7 = arith.mulf %get3A_6, %mul3A : vector<1024x128xf32>
    %get3A_8 = arith.constant 1 : index
    %get3A_9 = arith.constant 0 : index
    %get3A_10 = arith.constant 0 : index
    %get3A_11 = vector.load %arg1[%get3A_8, %get3A_9, %get3A_10] : memref<2x1024x128xf32, #tpu.memory_space<vmem>>, vector<1x1024x128xf32>
    %get3A_12 = vector.shape_cast %get3A_11 : vector<1x1024x128xf32> to vector<1024x128xf32>
    %mul3A_13 = vector.broadcast %get3A_1 : vector<1024x1xf32> to vector<1024x128xf32>
    %mul3A_14 = arith.mulf %get3A_12, %mul3A_13 : vector<1024x128xf32>
    %get3A_15 = arith.constant 0 : index
    %get3A_16 = arith.constant 0 : index
    %get3A_17 = vector.load %arg3[%get3A_15, %get3A_16] : memref<256x256xf32, #tpu.memory_space<vmem>>, vector<128x256xf32>
    %dot_general3A = arith.constant dense<0.000000e+00> : vector<1024x256xf32>
    %dot_general3A_18 = tpu.matmul %mul3A_7, %get3A_17, %dot_general3A {dimension_numbers = #tpu.dot_dimension_numbers<[1], [0], [0], [1], [0, 0, 1, 1], [], []>, transpose_lhs_hint = false} : vector<1024x128xf32>, vector<128x256xf32>, vector<1024x256xf32> -> vector<1024x256xf32>
    %get3A_19 = arith.constant 128 : index
    %get3A_20 = arith.constant 0 : index
    %get3A_21 = vector.load %arg3[%get3A_19, %get3A_20] : memref<256x256xf32, #tpu.memory_space<vmem>>, vector<128x256xf32>
    %dot_general3A_22 = arith.constant dense<0.000000e+00> : vector<1024x256xf32>
    %dot_general3A_23 = tpu.matmul %mul3A_14, %get3A_21, %dot_general3A_22 {dimension_numbers = #tpu.dot_dimension_numbers<[1], [0], [0], [1], [0, 0, 1, 1], [], []>, transpose_lhs_hint = false} : vector<1024x128xf32>, vector<128x256xf32>, vector<1024x256xf32> -> vector<1024x256xf32>
    %add3A = arith.addf %dot_general3A_18, %dot_general3A_23 : vector<1024x256xf32>
    %get3A_24 = arith.constant 0 : index
    %get3A_25 = arith.constant 0 : index
    %get3A_26 = vector.load %arg4[%get3A_24, %get3A_25] : memref<1x256xf32, #tpu.memory_space<vmem>>, vector<1x256xf32>
    %add3A_27 = vector.broadcast %get3A_26 : vector<1x256xf32> to vector<1024x256xf32>
    %add3A_28 = arith.addf %add3A, %add3A_27 : vector<1024x256xf32>
    %max3A = arith.constant 0.000000e+00 : f32
    %max3A_29 = vector.broadcast %max3A : f32 to vector<1024x256xf32>
    %max3A_30 = arith.maximumf %add3A_28, %max3A_29 : vector<1024x256xf32>
    %get3A_31 = arith.constant 0 : index
    %get3A_32 = arith.constant 0 : index
    %get3A_33 = vector.load %arg5[%get3A_31, %get3A_32] : memref<256x256xf32, #tpu.memory_space<vmem>>, vector<256x256xf32>
    %dot_general3A_34 = arith.constant dense<0.000000e+00> : vector<1024x256xf32>
    %dot_general3A_35 = tpu.matmul %max3A_30, %get3A_33, %dot_general3A_34 {dimension_numbers = #tpu.dot_dimension_numbers<[1], [0], [0], [1], [0, 0, 1, 1], [], []>, transpose_lhs_hint = false} : vector<1024x256xf32>, vector<256x256xf32>, vector<1024x256xf32> -> vector<1024x256xf32>
    %get3A_36 = arith.constant 0 : index
    %get3A_37 = arith.constant 0 : index
    %get3A_38 = vector.load %arg6[%get3A_36, %get3A_37] : memref<1x256xf32, #tpu.memory_space<vmem>>, vector<1x256xf32>
    %add3A_39 = vector.broadcast %get3A_38 : vector<1x256xf32> to vector<1024x256xf32>
    %add3A_40 = arith.addf %dot_general3A_35, %add3A_39 : vector<1024x256xf32>
    %get3A_41 = arith.constant 0 : index
    %get3A_42 = arith.constant 0 : index
    %get3A_43 = vector.load %arg7[%get3A_41, %get3A_42] : memref<256x128xf32, #tpu.memory_space<vmem>>, vector<256x128xf32>
    %dot_general3A_44 = arith.constant dense<0.000000e+00> : vector<1024x128xf32>
    %dot_general3A_45 = tpu.matmul %add3A_40, %get3A_43, %dot_general3A_44 {dimension_numbers = #tpu.dot_dimension_numbers<[1], [0], [0], [1], [0, 0, 1, 1], [], []>, transpose_lhs_hint = false} : vector<1024x256xf32>, vector<256x128xf32>, vector<1024x128xf32> -> vector<1024x128xf32>
    %get3A_46 = arith.constant 0 : index
    %get3A_47 = arith.constant 0 : index
    %get3A_48 = vector.load %arg8[%get3A_46, %get3A_47] : memref<1x128xf32, #tpu.memory_space<vmem>>, vector<1x128xf32>
    %add3A_49 = vector.broadcast %get3A_48 : vector<1x128xf32> to vector<1024x128xf32>
    %add3A_50 = arith.addf %dot_general3A_45, %add3A_49 : vector<1024x128xf32>
    %swap3A = arith.constant 0 : index
    %swap3A_51 = arith.constant 0 : index
    %swap3A_52 = vector.load %arg9[%swap3A, %swap3A_51] : memref<1024x128xf32, #tpu.memory_space<vmem>>, vector<1024x128xf32>
    tpu.vector_store %arg9[%swap3A, %swap3A_51], %add3A_50 {strides = array<i32>} : memref<1024x128xf32, #tpu.memory_space<vmem>>, vector<1024x128xf32>,
    return
  }
  func.func @transform_0(%arg0: i32) -> (i32, i32, i32) {
    %c0_i32 = arith.constant 0 : i32
    %c0_i32_0 = arith.constant 0 : i32
    %c0_i32_1 = arith.constant 0 : i32
    return %c0_i32, %arg0, %c0_i32_0 : i32, i32, i32
  }
  func.func @transform_1(%arg0: i32) -> (i32, i32) {
    %c0_i32 = arith.constant 0 : i32
    %c0_i32_0 = arith.constant 0 : i32
    return %arg0, %c0_i32 : i32, i32
  }
  func.func @transform_2(%arg0: i32) -> (i32, i32) {
    %c0_i32 = arith.constant 0 : i32
    %c0_i32_0 = arith.constant 0 : i32
    %c0_i32_1 = arith.constant 0 : i32
    return %c0_i32, %c0_i32_0 : i32, i32
  }
  func.func @transform_3(%arg0: i32) -> (i32, i32) {
    %c0_i32 = arith.constant 0 : i32
    %c0_i32_0 = arith.constant 0 : i32
    %c0_i32_1 = arith.constant 0 : i32
    return %c0_i32, %c0_i32_0 : i32, i32
  }
  func.func @transform_4(%arg0: i32) -> (i32, i32) {
    %c0_i32 = arith.constant 0 : i32
    %c0_i32_0 = arith.constant 0 : i32
    %c0_i32_1 = arith.constant 0 : i32
    return %c0_i32, %c0_i32_0 : i32, i32
  }
  func.func @transform_5(%arg0: i32) -> (i32, i32) {
    %c0_i32 = arith.constant 0 : i32
    %c0_i32_0 = arith.constant 0 : i32
    %c0_i32_1 = arith.constant 0 : i32
    return %c0_i32, %c0_i32_0 : i32, i32
  }
  func.func @transform_6(%arg0: i32) -> (i32, i32) {
    %c0_i32 = arith.constant 0 : i32
    %c0_i32_0 = arith.constant 0 : i32
    %c0_i32_1 = arith.constant 0 : i32
    return %c0_i32, %c0_i32_0 : i32, i32
  }
  func.func @transform_7(%arg0: i32) -> (i32, i32) {
    %c0_i32 = arith.constant 0 : i32
    %c0_i32_0 = arith.constant 0 : i32
    %c0_i32_1 = arith.constant 0 : i32
    return %c0_i32, %c0_i32_0 : i32, i32
  }
  func.func @transform_8(%arg0: i32) -> (i32, i32) {
    %c0_i32 = arith.constant 0 : i32
    %c0_i32_0 = arith.constant 0 : i32
    return %arg0, %c0_i32 : i32, i32
  }
}

</mosaic_0001>

<sc_bundles>
// kernel: kernel.10.cloned.1.call-start
scs
__scs_entry_jumppad:
0x0: {  	(pc) =	sbr.rel $0x88, $3  }
0x1: {  	(tag) =	ssettag $0x0;
	lr =	simm.s32 $0x1  }
0x2: {  	[smem:$0x3F95] =	sst lr;
	_ =	strace $0xD0000000  }
0x3: {  	_ = 	snop  }
0x4: {  	_ = 	snop  }
0x5: {  	_ = 	snop  }
0x6: {  	_ = 	snop  }
0x7: {  	_ = 	snop  }
__scs_overlays_trampoline_lowered:
0x8: {  	[smem:$0x3FA4] =	sst s0  }
0x9: {  	[smem:$0x3FA5] =	sst s1  }
0xa: {  	[smem:$0x3FA6] =	sst s2  }
0xb: {  	[smem:$0x3FA7] =	sst s3  }
0xc: {  	[smem:$0x3FA8] =	sst s4  }
0xd: {  	[smem:$0x3FA9] =	sst s5  }
0xe: {  	[smem:$0x3FAA] =	sst s6  }
0xf: {  	[smem:$0x3FAB] =	sst s7  }
0x10: {  	[smem:$0x3FAC] =	sst s8  }
0x11: {  	[smem:$0x3FAD] =	sst s9;
	s0 =	simm.s32 @!p0 $0x0  }
0x12: {  	s1 =	sld [smem:$0x3F93];
	s0 =	simm.s32 @p0 $0x1  }
0x13: {  	[smem:$0x3FAE] =	sst s0;
	s0 =	simm.s32 @!p1 $0x0  }
0x14: {  	s2 =	sld [smem:$0x3F92];
	s0 =	simm.s32 @p1 $0x1  }
0x15: {  	[smem:$0x3FAF] =	sst s0;
	s0 =	simm.s32 @!p2 $0x0  }
0x16: {  	s3 =	sld [smem:$0x3FDB];
	s0 =	simm.s32 @p2 $0x1  }
0x17: {  	s4 =	simm.s32 $0x1BF5;
	[smem:$0x3FB1] =	sst s0  }
0x18: {  	s0 =	sld [smem:$0x3F94];
	_ =	swait.ge [sflag:s4], $0x0  }
0x19: {  	s7 =	sld [smem:$0x3F95]  }
0x1a: {  	s8 =	sadd.s32 $0xFFFFE003, lr  }
0x1b: {  	s9 =	sadd.s32 $0xFFFFFEF7, lr;
	s5 =	simm.s32 $0xFFFFFFFF;
	p2 =	slt.u32 s8, $0xFFFFF086  }
0x1c: {  	p1 =	slt.u32 s9, $0xF7A;
	s5 =	simm.s32 @!p2 $0x0  }
0x1d: {  	s5 =	simm.s32 @p1 $0x1;
	p0 =	seq.s32 s7, s2  }
0x1e: {  	s7 =	smul.u32 @!p0 $0xF7A, s2;
	p2 =	seq.s32 @!p0 s5, $0x0  }
0x1f: {  	s9 =	smul.u32 $0xF7A, s1;
	s8 =	simm.s32 @!p0 $0x1BF5;
	p2 =	por !p2, p0  }
0x20: {  	[sflag:s8] =	ssyncset.s32 @!p0 $0xFFFFF086;
	s6 =	sadd.s32 @!p0 s3, s7;
	s7 =	simm.s32 @!p0 $0x108  }
0x21: {  	s3 =	sadd.s32 s3, s9;
	s6 =	sadd.s32 @!p0 $0x88, s6;
	s7 =	simm.s32 @p2 $0x1082  }
0x22: {  	[simem:s7], [sflag:s8] =	dma.local @!p0 [hbm:s6], $0xF7A  }
0x23: {  	s9 =	sor.u32 $0xD0000000, s2;
	s6 =	simm.s32 $0x108;
	_ =	swait.ge @!p0 [sflag:s8], $0x0  }
0x24: {  	s3 =	sadd.s32 $0x88, s3;
	s6 =	simm.s32 @!p1 $0x1082;
	[sflag:s4] =	ssyncset.s32 $0xFFFFF086  }
0x25: {  	[simem:s6], [sflag:s4] =	dma.local [hbm:s3], $0xF7A  }
0x26: {  	[smem:$0x3F95] =	sst s1;
	(tag) =	ssettag s2;
	_ =	strace s9  }
0x27: {  	s1 =	sld [smem:$0x3FA5]  }
0x28: {  	s2 =	sld [smem:$0x3FA6]  }
0x29: {  	s4 =	sld [smem:$0x3FA8]  }
0x2a: {  	p0 =	seq.s32 s5, $0x0;
	s5 =	sld [smem:$0x3FA9]  }
0x2b: {  	s6 =	sld [smem:$0x3FAA]  }
0x2c: {  	s7 =	sld [smem:$0x3FAB]  }
0x2d: {  	s3 =	simm.s32 $0x108;
	s8 =	sld [smem:$0x3FAC]  }
0x2e: {  	s3 =	simm.s32 @!p0 $0x1082;
	s9 =	sld [smem:$0x3FAD]  }
0x2f: {  	lr =	sadd.s32 s0, s3;
	s0 =	sld [smem:$0x3FA4]  }
0x30: {  	s3 =	sld [smem:$0x3FA7]  }
0x31: {  	[smem:$0x3FB0] =	sst s10  }
0x32: {  	s10 =	sld [smem:$0x3FAE];
	_ =	sdelay $0x3  }
0x33: {  	p0 =	seq.s32 s10, $0x1;
	s10 =	sld [smem:$0x3FB0];
	_ =	sdelay $0x3  }
0x34: {  	[smem:$0x3FB0] =	sst s10  }
0x35: {  	s10 =	sld [smem:$0x3FAF];
	_ =	sdelay $0x3  }
0x36: {  	p1 =	seq.s32 s10, $0x1;
	s10 =	sld [smem:$0x3FB0];
	_ =	sdelay $0x3  }
0x37: {  	[smem:$0x3FB0] =	sst s10  }
0x38: {  	s10 =	sld [smem:$0x3FB1]  }
0x39: {  	_ = 	snop;
	(pc) =	sbr.ind lr, $3  }
0x3a: {  	_ = 	snop  }
0x3b: {  	_ = 	snop  }
0x3c: {  	p2 =	seq.s32 s10, $0x1;
	s10 =	sld [smem:$0x3FB0]  }
0x3d: {  	_ =	shalt  }
0x3e: {  	_ =	shalt  }
0x3f: {  	_ =	shalt  }
0x40: {  	_ =	shalt  }
0x41: {  	_ =	shalt  }
0x42: {  	_ =	shalt  }
0x43: {  	_ =	shalt  }
0x44: {  	_ =	shalt  }
0x45: {  	_ =	shalt  }
0x46: {  	_ =	shalt  }
0x47: {  	_ =	shalt  }
0x48: {  	_ =	shalt  }
0x49: {  	_ =	shalt  }
0x4a: {  	_ =	shalt  }
0x4b: {  	_ =	shalt  }
0x4c: {  	_ =	shalt  }
0x4d: {  	_ =	shalt  }
0x4e: {  	_ =	shalt  }
0x4f: {  	_ =	shalt  }
0x50: {  	_ =	shalt  }
0x51: {  	_ =	shalt  }
0x52: {  	_ =	shalt  }
0x53: {  	_ =	shalt  }
0x54: {  	_ =	shalt  }
0x55: {  	_ =	shalt  }
0x56: {  	_ =	shalt  }
0x57: {  	_ =	shalt  }
0x58: {  	_ =	shalt  }
0x59: {  	_ =	shalt  }
0x5a: {  	_ =	shalt  }
0x5b: {  	_ =	shalt  }
0x5c: {  	_ =	shalt  }
0x5d: {  	_ =	shalt  }
0x5e: {  	_ =	shalt  }
0x5f: {  	_ =	shalt  }
0x60: {  	_ =	shalt  }
0x61: {  	_ =	shalt  }
0x62: {  	_ =	shalt  }
0x63: {  	_ =	shalt  }
0x64: {  	_ =	shalt  }
0x65: {  	_ =	shalt  }
0x66: {  	_ =	shalt  }
0x67: {  	_ =	shalt  }
0x68: {  	_ =	shalt  }
0x69: {  	_ =	shalt  }
0x6a: {  	_ =	shalt  }
0x6b: {  	_ =	shalt  }
0x6c: {  	_ =	shalt  }
0x6d: {  	_ =	shalt  }
0x6e: {  	_ =	shalt  }
0x6f: {  	_ =	shalt  }
0x70: {  	_ =	shalt  }
0x71: {  	_ =	shalt  }
0x72: {  	_ =	shalt  }
0x73: {  	_ =	shalt  }
0x74: {  	_ =	shalt  }
0x75: {  	_ =	shalt  }
0x76: {  	_ =	shalt  }
0x77: {  	_ =	shalt  }
0x78: {  	_ =	shalt  }
0x79: {  	_ =	shalt  }
0x7a: {  	_ =	shalt  }
0x7b: {  	_ =	shalt  }
0x7c: {  	_ =	shalt  }
0x7d: {  	_ =	shalt  }
0x7e: {  	_ =	shalt  }
0x7f: {  	_ =	shalt  }
0x80: {  	_ =	shalt  }
0x81: {  	_ =	shalt  }
0x82: {  	_ =	shalt  }
0x83: {  	_ =	shalt  }
0x84: {  	_ =	shalt  }
0x85: {  	_ =	shalt  }
0x86: {  	_ =	shalt  }
0x87: {  	_ =	shalt  }
.Lfunc_end0:
.L_simem_size_0:
called_computation_lowered:
.L_overlay_start_0:
0x88: {  	s2 =	sld [smem:$0x3FD9]  }
0x89: {  	s3 =	sld [smem:$0x3FFE];
	_ =	sdelay $0x1  }
0x8a: {  	s1 =	srdreg.scid  }
0x8b: {  	s0 =	sand.u32 $0x1, s1  }
0x8c: {  	s17 =	sshll.u32 s0, $0xA;
	s2 =	sadd.s32 s3, s2  }
0x8d: {  	s2 =	sadd.s32 s2, s17  }
0x8e: {  	[smem:$0x3FBC] =	sst s2  }
0x8f: {  	_ = 	snop  }
0x90: {  	s2 =	sld [smem:$0x3FD0];
	(tm) =	ssettm $0x1  }
0x91: {  	s18 =	sld [smem:$0x3FFB];
	_ =	sdelay $0x3  }
0x92: {  	_ =	strace s18  }
0x93: {  	s3 =	sld [smem:$0x3FFC];
	_ =	sdelay $0x3  }
0x94: {  	_ =	strace s3  }
0x95: {  	s3 =	sld [smem:$0x3FFD];
	_ =	sdelay $0x3  }
0x96: {  	_ =	strace s3  }
0x97: {  	_ =	strace $0x8FFFFFFF  }
0x98: {  	s19 =	sld [smem:$0x3FDB];
	_ =	sdelay $0x1  }
0x99: {  	s4 =	simm.s32 $_scs_section_size  }
0x9a: {  	s5 =	simm.s32 $_size__tile_overlayer_lowered;
	s6 =	simm.s32 $_tile_overlayer_lowered  }
0x9b: {  	s22 =	simm.s32 $0x1BFF;
	s21 =	sshll.u32 s6, $0x1;
	s3 =	sadd.s32 s4, s19  }
0x9c: {  	s7 =	simm.s32 $0x0;
	s20 =	sshll.u32 s5, $0x1;
	s5 =	sadd.s32 s21, s3  }
0x9d: {  	[timem:s7], [sflag:s22] =	dma.local [hbm:s5], s20  }
0x9e: {  	_ =	swait.ge [sflag:s22], s20  }
0x9f: {  	s4 =	ssub.s32 $0x0, s20;
	[sflag:s22] =	ssyncset.done $0x0  }
0xa0: {  	[sflag:s22] =	ssyncadd.s32 s4;
	_ =	sdelay $0x1  }
0xa1: {  	s23 =	simm.s32 $0x1B8B  }
0xa2: {  	_ =	swait.ge [sflag:s23], $0x1  }
0xa3: {  	[sflag:s23] =	ssyncset.done $0x0  }
0xa4: {  	s25 =	simm.s32 $0x1B8E;
	s24 =	sld [smem:$0x3FFE];
	[sflag:s23] =	ssyncadd.s32 $0xFFFFFFFF  }
0xa5: {  	s26 =	simm.s32 $execute0_lowered;
	[smem:$0x3FD2] =	sst s25  }
0xa6: {  	s5 =	sshll.u32 s26, $0x1;
	_ =	strace $0x80000046;
	[dreg:$0x1] =	wrdreg $0xFFFFFFFF  }
0xa7: {  	s28 =	simm.s32 $_size_execute0_lowered;
	s3 =	sadd.s32 s3, s5;
	[dreg:$0x0] =	wrdreg $0x0  }
0xa8: {  	s5 =	sshll.u32 s28, $0x1;
	[dreg:$0x2] =	wrdreg s3  }
0xa9: {  	[dreg:$0x3] =	wrdreg s5  }
0xaa: {  	[dreg:$0x4] =	wrdreg $0xC0  }
0xab: {  	_ =	task [dreg:s7], $0x5FFFF  }
0xac: {  	[dreg:$0x1] =	wrdreg $0xFFFFFFFF  }
0xad: {  	[dreg:$0x0] =	wrdreg $0x60  }
0xae: {  	[dreg:$0x2] =	wrdreg s24  }
0xaf: {  	[dreg:$0x3] =	wrdreg s2  }
0xb0: {  	[dreg:$0x4] =	wrdreg $0x68000  }
0xb1: {  	[dreg:$0x5] =	wrdreg $0x9  }
0xb2: {  	_ =	task.clear_ibuf [dreg:s7], $0x6FFFF;
	_ =	strace $0x90000046  }
0xb3: {  	s29 =	simm.s32 $0x9;
	_ =	strace $0x80000048  }
0xb4: {  	_ =	swait.ge [sflag:s29], $0x1  }
0xb5: {  	[sflag:s29] =	ssyncadd.s32 $0xFFFFFFFF  }
0xb6: {  	_ =	strace $0x90000048  }
0xb7: {  	_ =	sfence  }
0xb8: {  	s30 =	sld [smem:$0x0];
	_ =	sdelay $0x2  }
0xb9: {  	s31 =	sshll.u32 s1, $0xD;
	s1 =	sshrl.u32 s1, $0x2  }
0xba: {  	s3 =	sand.u32 $0x4000, s31;
	s1 =	sadd.s32 s1, s30  }
0xbb: {  	s0 =	sor.u32 s3, s0;
	s1 =	sshll.u32 s1, $0x11  }
0xbc: {  	s0 =	sor.u32 s1, s0  }
0xbd: {  	s0 =	sadd.s32 $0x8F2B, s0  }
0xbe: {  	[sflag:s0] =	ssyncadd.remote.s32 $0x1  }
0xbf: {  	_ =	sfence.sel $0xFFFF  }
0xc0: {  	[dreg:$0x0] =	wrdreg $0xFFFFFFFF;
	(pc) =	sbr.abs _section_cstart, $3  }
0xc1: {  	[dreg:$0x1] =	wrdreg $0xFFFFFFFF  }
0xc2: {  	_ =	task.clear_ibuf [dreg:s7], $0x2FFFF;
	_ =	strace $0x9FFFFFFF  }
0xc3: {  	(tm) =	ssettm $0x7FFFFFFF  }
tec
execute0_lowered:
.L_overlay_start_1:
0x0: {  	(tag) =	ssettag $0x1  }
0x1: {  	s6 =	rddreg [dreg:$0x0]  }
0x2: {  	s0 =	srdreg.scid;
	s2 =	rddreg [dreg:$0x1]  }
0x3: {  	s3 =	rddreg [dreg:$0x2];
	s7 =	sand.u32 $0x1, s0  }
0x4: {  	s0 =	stileid.u32;
	s5 =	smul.u32 $0x5000, s7  }
0x5: {  	s1 =	rddreg [dreg:$0x3];
	s8 =	smul.u32 $0x500, s0  }
0x6: {  	s4 =	simm.s32 $0x0;
	s13 =	simm.s32 $0x80;
	s9 =	smul.u32 $0x140000, s7  }
0x7: {  	s14 =	simm.s32 $0x0;
	[smem:$0x7FF] =	sst s4;
	s10 =	smul.u32 $0x14000, s0  }
0x8: {  	_ =	strace $0x80000047;
	s29 =	smul.u32 $0x50000, s0;
	s7 =	ssub.s32 $0x2, s7  }
0x9: {  	s31 =	sshll.u32 s0, $0x6;
	s30 =	sshrl.u32 s7, $0x1;
	s5 =	sadd.s32 s8, s5  }
0xa: {  	s9 =	sadd.s32 s10, s9;
	s10 =	sshrl.u32 s29, $0x2;
	s11 =	ssub.s32 s7, s30  }
0xb: {  	s8 =	sadd.s32 s5, s6;
	s5 =	sadd.s32 $0x17A00, s6;
	s9 =	sshrl.u32 s9, $0x3  }
0xc: {  	s12 =	sadd.s32 s10, s3;
	s10 =	sor.u32 $0x1C01, s31;
	s9 =	sadd.s32 s9, s6  }
0xd: {  	s6 =	sadd.s32 $0xDA00, s8;
	s8 =	smax.u32 s11, $0x1;
	s11 =	sshrl.u32 s12, $0x3  }
0xe: {  	s12 =	simm.s32 $0x2800;
	s7 =	sadd.s32 $0x18200, s9;
	s9 =	simm.s32 $0x1  }
.LBB2_1:
0xf: {  	[tilespmem:s4], [sflag:$0x1] =	stream.linear.gather [hbm4b:s6+s4], $0x2800, $0x38;
	[tilespmem:$0x1A800] =	vst v63  }
0x10: {  	_ =	swait.ge [sflag:s9], $0x2800  }
0x11: {  	[sflag:s9] =	ssyncset.done $0x0  }
0x12: {  	[sflag:s9] =	ssyncadd.s32 $0xFFFFD800  }
0x13: {  	[spmem:s11], [sflag:s10] =	dma.local [hbm:s2], $0x2800  }
0x14: {  	_ =	swait.ge [sflag:s9], $0x2800  }
0x15: {  	[sflag:s9] =	ssyncset.done $0x0  }
0x16: {  	[sflag:s9] =	ssyncadd.s32 $0xFFFFD800  }
0x17: {  	[tilespmem:s12], [sflag:$0x1] =	stream.linear.gather [hbm4b:s5+s4], $0x4000, $0x38;
	[tilespmem:$0x1A800] =	vst v63  }
0x18: {  	_ =	swait.ge [sflag:s9], $0x4000  }
0x19: {  	[sflag:s9] =	ssyncset.done $0x0  }
0x1a: {  	[sflag:s9] =	ssyncadd.s32 $0xFFFFC000  }
0x1b: {  	s15 =	simm.s32 $0x0;
	[bflag:$0x0] =	sbarrier.arrive $0xFFFF  }
0x1c: {  	[spmem:s3] =	stream.indirect.scatter.add.f32 [tilespmem:s12], [sflag:$0x1], $0x80, s15, s13, $0xb8;
	[tilespmem:$0x1A800] =	vst v63  }
0x1d: {  	_ =	swait.ge [sflag:s9], $0x4000  }
0x1e: {  	s15 =	simm.s32 $0x200;
	[sflag:s9] =	ssyncset.done $0x0  }
.LBB2_2:
0x1f: {  	s16 =	sshra.s32 s15, $0x2;
	[sflag:s9] =	ssyncadd.s32 $0xFFFFC000;
	p0 =	sne.s32 s15, $0x9E00  }
0x20: {  	[spmem:s3] =	stream.indirect.scatter.add.f32 [tilespmem:s12], [sflag:$0x1], $0x80, s16, s13, $0xb8;
	[tilespmem:$0x1A800] =	vst v63  }
.Ltmp0:
0x21: {  	_ = 	snop;
	(pc) =	sbr.rel @p0 .LBB2_2-.Ltmp0, $4  }
0x22: {  	_ = 	snop  }
0x23: {  	s15 =	sadd.s32 $0x200, s15  }
0x24: {  	_ =	swait.ge [sflag:s9], $0x4000  }
0x25: {  	[sflag:s9] =	ssyncset.done $0x0  }
0x26: {  	s14 =	sadd.s32 $0x1, s14  }
0x27: {  	[sflag:s9] =	ssyncadd.s32 $0xFFFFC000;
	p0 =	sne.s32 s14, s8  }
.Ltmp1:
0x28: {  	[bflag:$0x0] =	sbarrier.arrive $0xFFFF;
	(pc) =	sbr.rel @p0 .LBB2_1-.Ltmp1, $4  }
0x29: {  	[hbm:s7], [sflag:s10] =	dma.local [spmem:s11], $0x2800  }
0x2a: {  	_ =	swait.ge [sflag:s9], $0x2800  }
0x2b: {  	[sflag:s9] =	ssyncset.done $0x0  }
0x2c: {  	[sflag:s9] =	ssyncadd.s32 $0xFFFFD800  }
0x2d: {  	_ =	sfence.sel $0x180000  }
0x2e: {  	[bflag:$0x0] =	sbarrier.arrive $0xFFFF  }
0x2f: {  	p0 =	sne.s32 s0, $0x0;
	_ =	strace $0x90000047  }
0x30: {  	s0 =	sadd.s32 @!p0 $0x100000, s1;
	[bflag:$0x2] =	sbarrier.arrive $0xFFFF  }
0x31: {  	[sflag:s0] =	ssyncadd.tile.s32 @!p0 $0x1;
	_ =	shalt  }
.Lfunc_end2:
_tile_overlayer_lowered:
.L_overlay_start_2:
0x32: {  	(tag) =	ssettag $0x2  }
0x33: {  	s0 =	rddreg [dreg:$0x0];
	s2 =	stileid.u32  }
0x34: {  	s1 =	rddreg [dreg:$0x1];
	p0 =	sne.s32 s2, $0x0  }
0x35: {  	s3 =	rddreg [dreg:$0x2];
	[bflag:$0x3] =	sbarrier.arrive $0xFFFF;
	s2 =	simm.s32 @!p0 $0x1C01  }
0x36: {  	[timem:s3], [sflag:s2] =	dma.local @!p0 [hbm:s0], s1  }
0x37: {  	s0 =	simm.s32 @!p0 $0x1  }
0x38: {  	_ =	swait.ge @!p0 [sflag:s0], s1  }
0x39: {  	s1 =	ssub.s32 @!p0 $0x0, s1;
	[sflag:s0] =	ssyncset.done @!p0 $0x0  }
0x3a: {  	[sflag:s0] =	ssyncadd.s32 @!p0 s1  }
0x3b: {  	[bflag:$0x3] =	sbarrier.arrive $0xFFFF  }
0x3c: {  	_ =	shalt  }

// kernel: kernel.13.cloned.1.call-start
scs
__scs_entry_jumppad:
0x0: {  	(pc) =	sbr.rel $0x88, $3  }
0x1: {  	(tag) =	ssettag $0x0;
	lr =	simm.s32 $0x1  }
0x2: {  	[smem:$0x3F95] =	sst lr;
	_ =	strace $0xD0000000  }
0x3: {  	_ = 	snop  }
0x4: {  	_ = 	snop  }
0x5: {  	_ = 	snop  }
0x6: {  	_ = 	snop  }
0x7: {  	_ = 	snop  }
__scs_overlays_trampoline_lowered:
0x8: {  	[smem:$0x3FA4] =	sst s0  }
0x9: {  	[smem:$0x3FA5] =	sst s1  }
0xa: {  	[smem:$0x3FA6] =	sst s2  }
0xb: {  	[smem:$0x3FA7] =	sst s3  }
0xc: {  	[smem:$0x3FA8] =	sst s4  }
0xd: {  	[smem:$0x3FA9] =	sst s5  }
0xe: {  	[smem:$0x3FAA] =	sst s6  }
0xf: {  	[smem:$0x3FAB] =	sst s7  }
0x10: {  	[smem:$0x3FAC] =	sst s8  }
0x11: {  	[smem:$0x3FAD] =	sst s9;
	s0 =	simm.s32 @!p0 $0x0  }
0x12: {  	s1 =	sld [smem:$0x3F93];
	s0 =	simm.s32 @p0 $0x1  }
0x13: {  	[smem:$0x3FAE] =	sst s0;
	s0 =	simm.s32 @!p1 $0x0  }
0x14: {  	s2 =	sld [smem:$0x3F92];
	s0 =	simm.s32 @p1 $0x1  }
0x15: {  	[smem:$0x3FAF] =	sst s0;
	s0 =	simm.s32 @!p2 $0x0  }
0x16: {  	s3 =	sld [smem:$0x3FDB];
	s0 =	simm.s32 @p2 $0x1  }
0x17: {  	s4 =	simm.s32 $0x1BF5;
	[smem:$0x3FB1] =	sst s0  }
0x18: {  	s0 =	sld [smem:$0x3F94];
	_ =	swait.ge [sflag:s4], $0x0  }
0x19: {  	s7 =	sld [smem:$0x3F95]  }
0x1a: {  	s8 =	sadd.s32 $0xFFFFE003, lr  }
0x1b: {  	s9 =	sadd.s32 $0xFFFFFEF7, lr;
	s5 =	simm.s32 $0xFFFFFFFF;
	p2 =	slt.u32 s8, $0xFFFFF086  }
0x1c: {  	p1 =	slt.u32 s9, $0xF7A;
	s5 =	simm.s32 @!p2 $0x0  }
0x1d: {  	s5 =	simm.s32 @p1 $0x1;
	p0 =	seq.s32 s7, s2  }
0x1e: {  	s7 =	smul.u32 @!p0 $0xF7A, s2;
	p2 =	seq.s32 @!p0 s5, $0x0  }
0x1f: {  	s9 =	smul.u32 $0xF7A, s1;
	s8 =	simm.s32 @!p0 $0x1BF5;
	p2 =	por !p2, p0  }
0x20: {  	[sflag:s8] =	ssyncset.s32 @!p0 $0xFFFFF086;
	s6 =	sadd.s32 @!p0 s3, s7;
	s7 =	simm.s32 @!p0 $0x108  }
0x21: {  	s3 =	sadd.s32 s3, s9;
	s6 =	sadd.s32 @!p0 $0x88, s6;
	s7 =	simm.s32 @p2 $0x1082  }
0x22: {  	[simem:s7], [sflag:s8] =	dma.local @!p0 [hbm:s6], $0xF7A  }
0x23: {  	s9 =	sor.u32 $0xD0000000, s2;
	s6 =	simm.s32 $0x108;
	_ =	swait.ge @!p0 [sflag:s8], $0x0  }
0x24: {  	s3 =	sadd.s32 $0x88, s3;
	s6 =	simm.s32 @!p1 $0x1082;
	[sflag:s4] =	ssyncset.s32 $0xFFFFF086  }
0x25: {  	[simem:s6], [sflag:s4] =	dma.local [hbm:s3], $0xF7A  }
0x26: {  	[smem:$0x3F95] =	sst s1;
	(tag) =	ssettag s2;
	_ =	strace s9  }
0x27: {  	s1 =	sld [smem:$0x3FA5]  }
0x28: {  	s2 =	sld [smem:$0x3FA6]  }
0x29: {  	s4 =	sld [smem:$0x3FA8]  }
0x2a: {  	p0 =	seq.s32 s5, $0x0;
	s5 =	sld [smem:$0x3FA9]  }
0x2b: {  	s6 =	sld [smem:$0x3FAA]  }
0x2c: {  	s7 =	sld [smem:$0x3FAB]  }
0x2d: {  	s3 =	simm.s32 $0x108;
	s8 =	sld [smem:$0x3FAC]  }
0x2e: {  	s3 =	simm.s32 @!p0 $0x1082;
	s9 =	sld [smem:$0x3FAD]  }
0x2f: {  	lr =	sadd.s32 s0, s3;
	s0 =	sld [smem:$0x3FA4]  }
0x30: {  	s3 =	sld [smem:$0x3FA7]  }
0x31: {  	[smem:$0x3FB0] =	sst s10  }
0x32: {  	s10 =	sld [smem:$0x3FAE];
	_ =	sdelay $0x3  }
0x33: {  	p0 =	seq.s32 s10, $0x1;
	s10 =	sld [smem:$0x3FB0];
	_ =	sdelay $0x3  }
0x34: {  	[smem:$0x3FB0] =	sst s10  }
0x35: {  	s10 =	sld [smem:$0x3FAF];
	_ =	sdelay $0x3  }
0x36: {  	p1 =	seq.s32 s10, $0x1;
	s10 =	sld [smem:$0x3FB0];
	_ =	sdelay $0x3  }
0x37: {  	[smem:$0x3FB0] =	sst s10  }
0x38: {  	s10 =	sld [smem:$0x3FB1]  }
0x39: {  	_ = 	snop;
	(pc) =	sbr.ind lr, $3  }
0x3a: {  	_ = 	snop  }
0x3b: {  	_ = 	snop  }
0x3c: {  	p2 =	seq.s32 s10, $0x1;
	s10 =	sld [smem:$0x3FB0]  }
0x3d: {  	_ =	shalt  }
0x3e: {  	_ =	shalt  }
0x3f: {  	_ =	shalt  }
0x40: {  	_ =	shalt  }
0x41: {  	_ =	shalt  }
0x42: {  	_ =	shalt  }
0x43: {  	_ =	shalt  }
0x44: {  	_ =	shalt  }
0x45: {  	_ =	shalt  }
0x46: {  	_ =	shalt  }
0x47: {  	_ =	shalt  }
0x48: {  	_ =	shalt  }
0x49: {  	_ =	shalt  }
0x4a: {  	_ =	shalt  }
0x4b: {  	_ =	shalt  }
0x4c: {  	_ =	shalt  }
0x4d: {  	_ =	shalt  }
0x4e: {  	_ =	shalt  }
0x4f: {  	_ =	shalt  }
0x50: {  	_ =	shalt  }
0x51: {  	_ =	shalt  }
0x52: {  	_ =	shalt  }
0x53: {  	_ =	shalt  }
0x54: {  	_ =	shalt  }
0x55: {  	_ =	shalt  }
0x56: {  	_ =	shalt  }
0x57: {  	_ =	shalt  }
0x58: {  	_ =	shalt  }
0x59: {  	_ =	shalt  }
0x5a: {  	_ =	shalt  }
0x5b: {  	_ =	shalt  }
0x5c: {  	_ =	shalt  }
0x5d: {  	_ =	shalt  }
0x5e: {  	_ =	shalt  }
0x5f: {  	_ =	shalt  }
0x60: {  	_ =	shalt  }
0x61: {  	_ =	shalt  }
0x62: {  	_ =	shalt  }
0x63: {  	_ =	shalt  }
0x64: {  	_ =	shalt  }
0x65: {  	_ =	shalt  }
0x66: {  	_ =	shalt  }
0x67: {  	_ =	shalt  }
0x68: {  	_ =	shalt  }
0x69: {  	_ =	shalt  }
0x6a: {  	_ =	shalt  }
0x6b: {  	_ =	shalt  }
0x6c: {  	_ =	shalt  }
0x6d: {  	_ =	shalt  }
0x6e: {  	_ =	shalt  }
0x6f: {  	_ =	shalt  }
0x70: {  	_ =	shalt  }
0x71: {  	_ =	shalt  }
0x72: {  	_ =	shalt  }
0x73: {  	_ =	shalt  }
0x74: {  	_ =	shalt  }
0x75: {  	_ =	shalt  }
0x76: {  	_ =	shalt  }
0x77: {  	_ =	shalt  }
0x78: {  	_ =	shalt  }
0x79: {  	_ =	shalt  }
0x7a: {  	_ =	shalt  }
0x7b: {  	_ =	shalt  }
0x7c: {  	_ =	shalt  }
0x7d: {  	_ =	shalt  }
0x7e: {  	_ =	shalt  }
0x7f: {  	_ =	shalt  }
0x80: {  	_ =	shalt  }
0x81: {  	_ =	shalt  }
0x82: {  	_ =	shalt  }
0x83: {  	_ =	shalt  }
0x84: {  	_ =	shalt  }
0x85: {  	_ =	shalt  }
0x86: {  	_ =	shalt  }
0x87: {  	_ =	shalt  }
.Lfunc_end0:
.L_simem_size_0:
called_computation.1_lowered:
.L_overlay_start_0:
0x88: {  	s2 =	sld [smem:$0x3FD9]  }
0x89: {  	s3 =	sld [smem:$0x3FFE];
	_ =	sdelay $0x1  }
0x8a: {  	s1 =	srdreg.scid  }
0x8b: {  	s0 =	sand.u32 $0x1, s1  }
0x8c: {  	s16 =	sshll.u32 s0, $0xA;
	s2 =	sadd.s32 s3, s2  }
0x8d: {  	s2 =	sadd.s32 s2, s16  }
0x8e: {  	[smem:$0x3FBC] =	sst s2  }
0x8f: {  	_ = 	snop  }
0x90: {  	(tm) =	ssettm $0x1  }
0x91: {  	s17 =	sld [smem:$0x3FFB];
	_ =	sdelay $0x3  }
0x92: {  	_ =	strace s17  }
0x93: {  	s2 =	sld [smem:$0x3FFC];
	_ =	sdelay $0x3  }
0x94: {  	_ =	strace s2  }
0x95: {  	s2 =	sld [smem:$0x3FFD];
	_ =	sdelay $0x3  }
0x96: {  	_ =	strace s2  }
0x97: {  	_ =	strace $0x8FFFFFFF  }
0x98: {  	s18 =	sld [smem:$0x3FDB];
	_ =	sdelay $0x1  }
0x99: {  	s19 =	simm.s32 $_scs_section_size  }
0x9a: {  	s4 =	simm.s32 $_size__tile_overlayer_lowered;
	s5 =	simm.s32 $_tile_overlayer_lowered  }
0x9b: {  	s22 =	simm.s32 $0x1BFF;
	s21 =	sshll.u32 s5, $0x1;
	s2 =	sadd.s32 s19, s18  }
0x9c: {  	s6 =	simm.s32 $0x0;
	s20 =	sshll.u32 s4, $0x1;
	s4 =	sadd.s32 s21, s2  }
0x9d: {  	[timem:s6], [sflag:s22] =	dma.local [hbm:s4], s20  }
0x9e: {  	_ =	swait.ge [sflag:s22], s20  }
0x9f: {  	s3 =	ssub.s32 $0x0, s20;
	[sflag:s22] =	ssyncset.done $0x0  }
0xa0: {  	[sflag:s22] =	ssyncadd.s32 s3;
	_ =	sdelay $0x1  }
0xa1: {  	s23 =	simm.s32 $0x1B8B  }
0xa2: {  	_ =	swait.ge [sflag:s23], $0x1  }
0xa3: {  	[sflag:s23] =	ssyncset.done $0x0  }
0xa4: {  	s25 =	simm.s32 $0x1B8E;
	s24 =	sld [smem:$0x3FFE];
	[sflag:s23] =	ssyncadd.s32 $0xFFFFFFFF  }
0xa5: {  	s26 =	simm.s32 $execute0_lowered;
	[smem:$0x3FD2] =	sst s25  }
0xa6: {  	s4 =	sshll.u32 s26, $0x1;
	_ =	strace $0x80000049;
	[dreg:$0x1] =	wrdreg $0xFFFFFFFF  }
0xa7: {  	s28 =	simm.s32 $_size_execute0_lowered;
	s2 =	sadd.s32 s2, s4;
	[dreg:$0x0] =	wrdreg $0x0  }
0xa8: {  	s4 =	sshll.u32 s28, $0x1;
	[dreg:$0x2] =	wrdreg s2  }
0xa9: {  	[dreg:$0x3] =	wrdreg s4  }
0xaa: {  	[dreg:$0x4] =	wrdreg $0xC0  }
0xab: {  	_ =	task [dreg:s6], $0x5FFFF  }
0xac: {  	[dreg:$0x1] =	wrdreg $0xFFFFFFFF  }
0xad: {  	[dreg:$0x0] =	wrdreg $0x60  }
0xae: {  	[dreg:$0x2] =	wrdreg s24  }
0xaf: {  	[dreg:$0x3] =	wrdreg $0x41000  }
0xb0: {  	[dreg:$0x4] =	wrdreg $0x9  }
0xb1: {  	_ =	task.clear_ibuf [dreg:s6], $0x5FFFF;
	_ =	strace $0x90000049  }
0xb2: {  	s29 =	simm.s32 $0x9;
	_ =	strace $0x8000004B  }
0xb3: {  	_ =	swait.ge [sflag:s29], $0x1  }
0xb4: {  	[sflag:s29] =	ssyncadd.s32 $0xFFFFFFFF  }
0xb5: {  	_ =	strace $0x9000004B  }
0xb6: {  	_ =	sfence  }
0xb7: {  	s30 =	sld [smem:$0x0];
	_ =	sdelay $0x2  }
0xb8: {  	s31 =	sshll.u32 s1, $0xD;
	s1 =	sshrl.u32 s1, $0x2  }
0xb9: {  	s3 =	sand.u32 $0x4000, s31;
	s1 =	sadd.s32 s1, s30  }
0xba: {  	s0 =	sor.u32 s3, s0;
	s1 =	sshll.u32 s1, $0x11  }
0xbb: {  	s0 =	sor.u32 s1, s0  }
0xbc: {  	s0 =	sadd.s32 $0x8F2B, s0  }
0xbd: {  	[sflag:s0] =	ssyncadd.remote.s32 $0x1  }
0xbe: {  	_ =	sfence.sel $0xFFFF  }
0xbf: {  	[dreg:$0x0] =	wrdreg $0xFFFFFFFF;
	(pc) =	sbr.abs _section_cstart, $3  }
0xc0: {  	[dreg:$0x1] =	wrdreg $0xFFFFFFFF  }
0xc1: {  	_ =	task.clear_ibuf [dreg:s6], $0x2FFFF;
	_ =	strace $0x9FFFFFFF  }
0xc2: {  	(tm) =	ssettm $0x7FFFFFFF  }
0xc3: {  	_ =	shalt  }
tec
execute0_lowered:
.L_overlay_start_1:
0x0: {  	(tag) =	ssettag $0x1  }
0x1: {  	s5 =	rddreg [dreg:$0x0]  }
0x2: {  	s0 =	srdreg.scid;
	s2 =	rddreg [dreg:$0x1]  }
0x3: {  	s1 =	rddreg [dreg:$0x2];
	s6 =	sand.u32 $0x1, s0  }
0x4: {  	s0 =	stileid.u32;
	s4 =	smul.u32 $0x28000, s6  }
0x5: {  	s3 =	simm.s32 $0x0;
	s13 =	simm.s32 $0x80;
	s7 =	smul.u32 $0x2800, s0  }
0x6: {  	s14 =	simm.s32 $0x100;
	s15 =	simm.s32 $0x1;
	s8 =	smul.u32 $0x14000, s0  }
0x7: {  	s16 =	simm.s32 $0x0;
	[smem:$0x7FF] =	sst s3;
	s9 =	smul.u32 $0x140000, s6  }
0x8: {  	_ =	strace $0x8000004A;
	s6 =	ssub.s32 $0x2, s6;
	s10 =	smul.u32 $0x50000, s0  }
0x9: {  	s31 =	sshll.u32 s0, $0x6;
	s28 =	sshrl.u32 s6, $0x1;
	s7 =	sadd.s32 s7, s4  }
0xa: {  	s4 =	sadd.s32 $0x17A00, s5;
	s9 =	sadd.s32 s8, s9;
	s29 =	sshrl.u32 s10, $0x2  }
0xb: {  	s30 =	sshrl.u32 s8, $0x3;
	s7 =	sshrl.u32 s7, $0x3;
	s26 =	sshrl.u32 s9, $0x3  }
0xc: {  	s9 =	ssub.s32 s6, s28;
	s12 =	sadd.s32 s29, s2;
	s6 =	sor.u32 $0x1C02, s31  }
0xd: {  	s11 =	sadd.s32 s7, s5;
	s7 =	sadd.s32 s26, s5;
	s5 =	sadd.s32 s4, s30  }
0xe: {  	s8 =	smax.u32 s9, $0x1;
	s7 =	sadd.s32 $0x3FA00, s7;
	s9 =	sadd.s32 $0xDA00, s11  }
0xf: {  	s10 =	sadd.s32 $0x3A00, s11;
	s11 =	sshrl.u32 s12, $0x3;
	s12 =	simm.s32 $0x2  }
.LBB2_1:
0x10: {  	[spmem:s11], [sflag:s6] =	dma.local [hbm:s5], $0x2800  }
0x11: {  	_ =	swait.ge [sflag:s12], $0x2800  }
0x12: {  	[sflag:s12] =	ssyncset.done $0x0  }
0x13: {  	[sflag:s12] =	ssyncadd.s32 $0xFFFFD800  }
0x14: {  	s17 =	sadd.s32 $0x0, s10;
	[bflag:$0x0] =	sbarrier.arrive $0xFFFF  }
0x15: {  	[tilespmem:s3], [sflag:$0x2] =	stream.linear.gather [hbm4b:s17+s3], $0x80, $0x38;
	[tilespmem:$0x18100] =	vst v63  }
0x16: {  	_ =	swait.ge [sflag:s12], $0x80  }
0x17: {  	[sflag:s12] =	ssyncset.done $0x0  }
0x18: {  	s31 =	sadd.s32 $0x0, s9;
	[sflag:s12] =	ssyncadd.s32 $0xFFFFFF80  }
0x19: {  	[tilespmem:s13], [sflag:$0x2] =	stream.linear.gather [hbm4b:s31+s3], $0x80, $0x38;
	[tilespmem:$0x18100] =	vst v63  }
0x1a: {  	_ =	swait.ge [sflag:s12], $0x80  }
0x1b: {  	[sflag:s12] =	ssyncset.done $0x0  }
0x1c: {  	[sflag:s12] =	ssyncadd.s32 $0xFFFFFF80  }
0x1d: {  	[tilespmem:s14], [sflag:$0x1] =	stream.indirect.gather [hbm4b:s4+s13], $0x80, s3, s13, $0xb8;
	[tilespmem:$0x18100] =	vst v63  }
0x1e: {  	_ =	swait.ge [sflag:s15], $0x4000  }
0x1f: {  	[sflag:s15] =	ssyncset.done $0x0  }
0x20: {  	[sflag:s15] =	ssyncadd.s32 $0xFFFFC000  }
0x21: {  	[spmem:s2] =	stream.indirect.scatter.add.f32 [tilespmem:s14], [sflag:$0x2], $0x80, s13, s13, $0xb8;
	[tilespmem:$0x18100] =	vst v63  }
0x22: {  	_ =	swait.ge [sflag:s12], $0x4000  }
0x23: {  	s18 =	simm.s32 $0x20;
	s17 =	simm.s32 $0x10;
	[sflag:s12] =	ssyncset.done $0x0  }
.LBB2_2:
0x24: {  	s19 =	sadd.s32 s17, s10  }
0x25: {  	[sflag:s12] =	ssyncadd.s32 $0xFFFFC000;
	s20 =	smov.u32 s18;
	s21 =	sadd.s32 $0x10, s18  }
0x26: {  	[tilespmem:s3], [sflag:$0x2] =	stream.linear.gather [hbm4b:s19+s3], $0x80, $0x38;
	[tilespmem:$0x18100] =	vst v63  }
0x27: {  	p0 =	sne.s32 s18, $0x4F0;
	_ =	swait.ge [sflag:s12], $0x80  }
0x28: {  	[sflag:s12] =	ssyncset.done $0x0  }
0x29: {  	s18 =	sadd.s32 s17, s9;
	s17 =	smov.u32 s20;
	[sflag:s12] =	ssyncadd.s32 $0xFFFFFF80  }
0x2a: {  	[tilespmem:s13], [sflag:$0x2] =	stream.linear.gather [hbm4b:s18+s3], $0x80, $0x38;
	[tilespmem:$0x18100] =	vst v63  }
0x2b: {  	_ =	swait.ge [sflag:s12], $0x80  }
0x2c: {  	[sflag:s12] =	ssyncset.done $0x0  }
0x2d: {  	[sflag:s12] =	ssyncadd.s32 $0xFFFFFF80  }
0x2e: {  	[tilespmem:s14], [sflag:$0x1] =	stream.indirect.gather [hbm4b:s4+s13], $0x80, s3, s13, $0xb8;
	[tilespmem:$0x18100] =	vst v63  }
0x2f: {  	_ =	swait.ge [sflag:s15], $0x4000  }
.Ltmp0:
0x30: {  	[sflag:s15] =	ssyncset.done $0x0;
	(pc) =	sbr.rel @p0 .LBB2_2-.Ltmp0, $4  }
0x31: {  	[sflag:s15] =	ssyncadd.s32 $0xFFFFC000  }
0x32: {  	[spmem:s2] =	stream.indirect.scatter.add.f32 [tilespmem:s14], [sflag:$0x2], $0x80, s13, s13, $0xb8;
	[tilespmem:$0x18100] =	vst v63  }
0x33: {  	_ =	swait.ge [sflag:s12], $0x4000  }
0x34: {  	s18 =	smov.u32 s21;
	[sflag:s12] =	ssyncset.done $0x0  }
0x35: {  	s18 =	sadd.s32 s17, s10;
	[sflag:s12] =	ssyncadd.s32 $0xFFFFC000  }
0x36: {  	[tilespmem:s3], [sflag:$0x2] =	stream.linear.gather [hbm4b:s18+s3], $0x80, $0x38;
	[tilespmem:$0x18100] =	vst v63  }
0x37: {  	_ =	swait.ge [sflag:s12], $0x80  }
0x38: {  	[sflag:s12] =	ssyncset.done $0x0  }
0x39: {  	s31 =	sadd.s32 s17, s9;
	[sflag:s12] =	ssyncadd.s32 $0xFFFFFF80  }
0x3a: {  	[tilespmem:s13], [sflag:$0x2] =	stream.linear.gather [hbm4b:s31+s3], $0x80, $0x38;
	[tilespmem:$0x18100] =	vst v63  }
0x3b: {  	_ =	swait.ge [sflag:s12], $0x80  }
0x3c: {  	[sflag:s12] =	ssyncset.done $0x0  }
0x3d: {  	[sflag:s12] =	ssyncadd.s32 $0xFFFFFF80  }
0x3e: {  	[tilespmem:s14], [sflag:$0x1] =	stream.indirect.gather [hbm4b:s4+s13], $0x80, s3, s13, $0xb8;
	[tilespmem:$0x18100] =	vst v63  }
0x3f: {  	_ =	swait.ge [sflag:s15], $0x4000  }
0x40: {  	[sflag:s15] =	ssyncset.done $0x0  }
0x41: {  	[sflag:s15] =	ssyncadd.s32 $0xFFFFC000  }
0x42: {  	[spmem:s2] =	stream.indirect.scatter.add.f32 [tilespmem:s14], [sflag:$0x2], $0x80, s13, s13, $0xb8;
	[tilespmem:$0x18100] =	vst v63  }
0x43: {  	_ =	swait.ge [sflag:s12], $0x4000  }
0x44: {  	s16 =	sadd.s32 $0x1, s16;
	[sflag:s12] =	ssyncset.done $0x0  }
0x45: {  	p0 =	sne.s32 s16, s8;
	[sflag:s12] =	ssyncadd.s32 $0xFFFFC000  }
.Ltmp1:
0x46: {  	[bflag:$0x0] =	sbarrier.arrive $0xFFFF;
	(pc) =	sbr.rel @p0 .LBB2_1-.Ltmp1, $4  }
0x47: {  	[hbm:s7], [sflag:s6] =	dma.local [spmem:s11], $0x2800  }
0x48: {  	_ =	swait.ge [sflag:s12], $0x2800  }
0x49: {  	[sflag:s12] =	ssyncset.done $0x0  }
0x4a: {  	[sflag:s12] =	ssyncadd.s32 $0xFFFFD800  }
0x4b: {  	_ =	sfence.sel $0x180000  }
0x4c: {  	[bflag:$0x0] =	sbarrier.arrive $0xFFFF  }
0x4d: {  	p0 =	sne.s32 s0, $0x0;
	_ =	strace $0x9000004A  }
0x4e: {  	s0 =	sadd.s32 @!p0 $0x100000, s1;
	[bflag:$0x2] =	sbarrier.arrive $0xFFFF  }
0x4f: {  	[sflag:s0] =	ssyncadd.tile.s32 @!p0 $0x1;
	_ =	shalt  }
.Lfunc_end2:
_tile_overlayer_lowered:
.L_overlay_start_2:
0x50: {  	(tag) =	ssettag $0x2  }
0x51: {  	s0 =	rddreg [dreg:$0x0];
	s2 =	stileid.u32  }
0x52: {  	s1 =	rddreg [dreg:$0x1];
	p0 =	sne.s32 s2, $0x0  }
0x53: {  	s3 =	rddreg [dreg:$0x2];
	[bflag:$0x3] =	sbarrier.arrive $0xFFFF;
	s2 =	simm.s32 @!p0 $0x1C02  }
0x54: {  	[timem:s3], [sflag:s2] =	dma.local @!p0 [hbm:s0], s1  }
0x55: {  	s0 =	simm.s32 @!p0 $0x2  }
0x56: {  	_ =	swait.ge @!p0 [sflag:s0], s1  }
0x57: {  	s1 =	ssub.s32 @!p0 $0x0, s1;
	[sflag:s0] =	ssyncset.done @!p0 $0x0  }
0x58: {  	[sflag:s0] =	ssyncadd.s32 @!p0 s1  }
0x59: {  	[bflag:$0x3] =	sbarrier.arrive $0xFFFF  }
0x5a: {  	_ =	shalt  }

// kernel: kernel.16.cloned.1.call-start
scs
__scs_entry_jumppad:
0x0: {  	(pc) =	sbr.rel $0x88, $3  }
0x1: {  	(tag) =	ssettag $0x0;
	lr =	simm.s32 $0x1  }
0x2: {  	[smem:$0x3F95] =	sst lr;
	_ =	strace $0xD0000000  }
0x3: {  	_ = 	snop  }
0x4: {  	_ = 	snop  }
0x5: {  	_ = 	snop  }
0x6: {  	_ = 	snop  }
0x7: {  	_ = 	snop  }
__scs_overlays_trampoline_lowered:
0x8: {  	[smem:$0x3FA4] =	sst s0  }
0x9: {  	[smem:$0x3FA5] =	sst s1  }
0xa: {  	[smem:$0x3FA6] =	sst s2  }
0xb: {  	[smem:$0x3FA7] =	sst s3  }
0xc: {  	[smem:$0x3FA8] =	sst s4  }
0xd: {  	[smem:$0x3FA9] =	sst s5  }
0xe: {  	[smem:$0x3FAA] =	sst s6  }
0xf: {  	[smem:$0x3FAB] =	sst s7  }
0x10: {  	[smem:$0x3FAC] =	sst s8  }
0x11: {  	[smem:$0x3FAD] =	sst s9;
	s0 =	simm.s32 @!p0 $0x0  }
0x12: {  	s1 =	sld [smem:$0x3F93];
	s0 =	simm.s32 @p0 $0x1  }
0x13: {  	[smem:$0x3FAE] =	sst s0;
	s0 =	simm.s32 @!p1 $0x0  }
0x14: {  	s2 =	sld [smem:$0x3F92];
	s0 =	simm.s32 @p1 $0x1  }
0x15: {  	[smem:$0x3FAF] =	sst s0;
	s0 =	simm.s32 @!p2 $0x0  }
0x16: {  	s3 =	sld [smem:$0x3FDB];
	s0 =	simm.s32 @p2 $0x1  }
0x17: {  	s4 =	simm.s32 $0x1BF5;
	[smem:$0x3FB1] =	sst s0  }
0x18: {  	s0 =	sld [smem:$0x3F94];
	_ =	swait.ge [sflag:s4], $0x0  }
0x19: {  	s7 =	sld [smem:$0x3F95]  }
0x1a: {  	s8 =	sadd.s32 $0xFFFFE003, lr  }
0x1b: {  	s9 =	sadd.s32 $0xFFFFFEF7, lr;
	s5 =	simm.s32 $0xFFFFFFFF;
	p2 =	slt.u32 s8, $0xFFFFF086  }
0x1c: {  	p1 =	slt.u32 s9, $0xF7A;
	s5 =	simm.s32 @!p2 $0x0  }
0x1d: {  	s5 =	simm.s32 @p1 $0x1;
	p0 =	seq.s32 s7, s2  }
0x1e: {  	s7 =	smul.u32 @!p0 $0xF7A, s2;
	p2 =	seq.s32 @!p0 s5, $0x0  }
0x1f: {  	s9 =	smul.u32 $0xF7A, s1;
	s8 =	simm.s32 @!p0 $0x1BF5;
	p2 =	por !p2, p0  }
0x20: {  	[sflag:s8] =	ssyncset.s32 @!p0 $0xFFFFF086;
	s6 =	sadd.s32 @!p0 s3, s7;
	s7 =	simm.s32 @!p0 $0x108  }
0x21: {  	s3 =	sadd.s32 s3, s9;
	s6 =	sadd.s32 @!p0 $0x88, s6;
	s7 =	simm.s32 @p2 $0x1082  }
0x22: {  	[simem:s7], [sflag:s8] =	dma.local @!p0 [hbm:s6], $0xF7A  }
0x23: {  	s9 =	sor.u32 $0xD0000000, s2;
	s6 =	simm.s32 $0x108;
	_ =	swait.ge @!p0 [sflag:s8], $0x0  }
0x24: {  	s3 =	sadd.s32 $0x88, s3;
	s6 =	simm.s32 @!p1 $0x1082;
	[sflag:s4] =	ssyncset.s32 $0xFFFFF086  }
0x25: {  	[simem:s6], [sflag:s4] =	dma.local [hbm:s3], $0xF7A  }
0x26: {  	[smem:$0x3F95] =	sst s1;
	(tag) =	ssettag s2;
	_ =	strace s9  }
0x27: {  	s1 =	sld [smem:$0x3FA5]  }
0x28: {  	s2 =	sld [smem:$0x3FA6]  }
0x29: {  	s4 =	sld [smem:$0x3FA8]  }
0x2a: {  	p0 =	seq.s32 s5, $0x0;
	s5 =	sld [smem:$0x3FA9]  }
0x2b: {  	s6 =	sld [smem:$0x3FAA]  }
0x2c: {  	s7 =	sld [smem:$0x3FAB]  }
0x2d: {  	s3 =	simm.s32 $0x108;
	s8 =	sld [smem:$0x3FAC]  }
0x2e: {  	s3 =	simm.s32 @!p0 $0x1082;
	s9 =	sld [smem:$0x3FAD]  }
0x2f: {  	lr =	sadd.s32 s0, s3;
	s0 =	sld [smem:$0x3FA4]  }
0x30: {  	s3 =	sld [smem:$0x3FA7]  }
0x31: {  	[smem:$0x3FB0] =	sst s10  }
0x32: {  	s10 =	sld [smem:$0x3FAE];
	_ =	sdelay $0x3  }
0x33: {  	p0 =	seq.s32 s10, $0x1;
	s10 =	sld [smem:$0x3FB0];
	_ =	sdelay $0x3  }
0x34: {  	[smem:$0x3FB0] =	sst s10  }
0x35: {  	s10 =	sld [smem:$0x3FAF];
	_ =	sdelay $0x3  }
0x36: {  	p1 =	seq.s32 s10, $0x1;
	s10 =	sld [smem:$0x3FB0];
	_ =	sdelay $0x3  }
0x37: {  	[smem:$0x3FB0] =	sst s10  }
0x38: {  	s10 =	sld [smem:$0x3FB1]  }
0x39: {  	_ = 	snop;
	(pc) =	sbr.ind lr, $3  }
0x3a: {  	_ = 	snop  }
0x3b: {  	_ = 	snop  }
0x3c: {  	p2 =	seq.s32 s10, $0x1;
	s10 =	sld [smem:$0x3FB0]  }
0x3d: {  	_ =	shalt  }
0x3e: {  	_ =	shalt  }
0x3f: {  	_ =	shalt  }
0x40: {  	_ =	shalt  }
0x41: {  	_ =	shalt  }
0x42: {  	_ =	shalt  }
0x43: {  	_ =	shalt  }
0x44: {  	_ =	shalt  }
0x45: {  	_ =	shalt  }
0x46: {  	_ =	shalt  }
0x47: {  	_ =	shalt  }
0x48: {  	_ =	shalt  }
0x49: {  	_ =	shalt  }
0x4a: {  	_ =	shalt  }
0x4b: {  	_ =	shalt  }
0x4c: {  	_ =	shalt  }
0x4d: {  	_ =	shalt  }
0x4e: {  	_ =	shalt  }
0x4f: {  	_ =	shalt  }
0x50: {  	_ =	shalt  }
0x51: {  	_ =	shalt  }
0x52: {  	_ =	shalt  }
0x53: {  	_ =	shalt  }
0x54: {  	_ =	shalt  }
0x55: {  	_ =	shalt  }
0x56: {  	_ =	shalt  }
0x57: {  	_ =	shalt  }
0x58: {  	_ =	shalt  }
0x59: {  	_ =	shalt  }
0x5a: {  	_ =	shalt  }
0x5b: {  	_ =	shalt  }
0x5c: {  	_ =	shalt  }
0x5d: {  	_ =	shalt  }
0x5e: {  	_ =	shalt  }
0x5f: {  	_ =	shalt  }
0x60: {  	_ =	shalt  }
0x61: {  	_ =	shalt  }
0x62: {  	_ =	shalt  }
0x63: {  	_ =	shalt  }
0x64: {  	_ =	shalt  }
0x65: {  	_ =	shalt  }
0x66: {  	_ =	shalt  }
0x67: {  	_ =	shalt  }
0x68: {  	_ =	shalt  }
0x69: {  	_ =	shalt  }
0x6a: {  	_ =	shalt  }
0x6b: {  	_ =	shalt  }
0x6c: {  	_ =	shalt  }
0x6d: {  	_ =	shalt  }
0x6e: {  	_ =	shalt  }
0x6f: {  	_ =	shalt  }
0x70: {  	_ =	shalt  }
0x71: {  	_ =	shalt  }
0x72: {  	_ =	shalt  }
0x73: {  	_ =	shalt  }
0x74: {  	_ =	shalt  }
0x75: {  	_ =	shalt  }
0x76: {  	_ =	shalt  }
0x77: {  	_ =	shalt  }
0x78: {  	_ =	shalt  }
0x79: {  	_ =	shalt  }
0x7a: {  	_ =	shalt  }
0x7b: {  	_ =	shalt  }
0x7c: {  	_ =	shalt  }
0x7d: {  	_ =	shalt  }
0x7e: {  	_ =	shalt  }
0x7f: {  	_ =	shalt  }
0x80: {  	_ =	shalt  }
0x81: {  	_ =	shalt  }
0x82: {  	_ =	shalt  }
0x83: {  	_ =	shalt  }
0x84: {  	_ =	shalt  }
0x85: {  	_ =	shalt  }
0x86: {  	_ =	shalt  }
0x87: {  	_ =	shalt  }
.Lfunc_end0:
.L_simem_size_0:
called_computation.2_lowered:
.L_overlay_start_0:
0x88: {  	s2 =	sld [smem:$0x3FD9]  }
0x89: {  	s3 =	sld [smem:$0x3FFE];
	_ =	sdelay $0x1  }
0x8a: {  	s1 =	srdreg.scid  }
0x8b: {  	s0 =	sand.u32 $0x1, s1  }
0x8c: {  	s17 =	sshll.u32 s0, $0xA;
	s2 =	sadd.s32 s3, s2  }
0x8d: {  	s2 =	sadd.s32 s2, s17  }
0x8e: {  	[smem:$0x3FBC] =	sst s2  }
0x8f: {  	_ = 	snop  }
0x90: {  	s2 =	sld [smem:$0x3FD0];
	(tm) =	ssettm $0x1  }
0x91: {  	s18 =	sld [smem:$0x3FFB];
	_ =	sdelay $0x3  }
0x92: {  	_ =	strace s18  }
0x93: {  	s3 =	sld [smem:$0x3FFC];
	_ =	sdelay $0x3  }
0x94: {  	_ =	strace s3  }
0x95: {  	s3 =	sld [smem:$0x3FFD];
	_ =	sdelay $0x3  }
0x96: {  	_ =	strace s3  }
0x97: {  	_ =	strace $0x8FFFFFFF  }
0x98: {  	s19 =	sld [smem:$0x3FDB];
	_ =	sdelay $0x1  }
0x99: {  	s4 =	simm.s32 $_scs_section_size  }
0x9a: {  	s5 =	simm.s32 $_size__tile_overlayer_lowered;
	s6 =	simm.s32 $_tile_overlayer_lowered  }
0x9b: {  	s22 =	simm.s32 $0x1BFF;
	s21 =	sshll.u32 s6, $0x1;
	s3 =	sadd.s32 s4, s19  }
0x9c: {  	s7 =	simm.s32 $0x0;
	s20 =	sshll.u32 s5, $0x1;
	s5 =	sadd.s32 s21, s3  }
0x9d: {  	[timem:s7], [sflag:s22] =	dma.local [hbm:s5], s20  }
0x9e: {  	_ =	swait.ge [sflag:s22], s20  }
0x9f: {  	s4 =	ssub.s32 $0x0, s20;
	[sflag:s22] =	ssyncset.done $0x0  }
0xa0: {  	[sflag:s22] =	ssyncadd.s32 s4;
	_ =	sdelay $0x1  }
0xa1: {  	s23 =	simm.s32 $0x1B8B  }
0xa2: {  	_ =	swait.ge [sflag:s23], $0x1  }
0xa3: {  	[sflag:s23] =	ssyncset.done $0x0  }
0xa4: {  	s25 =	simm.s32 $0x1B8E;
	s24 =	sld [smem:$0x3FFE];
	[sflag:s23] =	ssyncadd.s32 $0xFFFFFFFF  }
0xa5: {  	s26 =	simm.s32 $execute0_lowered;
	[smem:$0x3FD2] =	sst s25  }
0xa6: {  	s5 =	sshll.u32 s26, $0x1;
	_ =	strace $0x8000004C;
	[dreg:$0x1] =	wrdreg $0xFFFFFFFF  }
0xa7: {  	s28 =	simm.s32 $_size_execute0_lowered;
	s3 =	sadd.s32 s3, s5;
	[dreg:$0x0] =	wrdreg $0x0  }
0xa8: {  	s5 =	sshll.u32 s28, $0x1;
	[dreg:$0x2] =	wrdreg s3  }
0xa9: {  	[dreg:$0x3] =	wrdreg s5  }
0xaa: {  	[dreg:$0x4] =	wrdreg $0xC0  }
0xab: {  	_ =	task [dreg:s7], $0x5FFFF  }
0xac: {  	[dreg:$0x1] =	wrdreg $0xFFFFFFFF  }
0xad: {  	[dreg:$0x0] =	wrdreg $0x60  }
0xae: {  	[dreg:$0x2] =	wrdreg s24  }
0xaf: {  	[dreg:$0x3] =	wrdreg s2  }
0xb0: {  	[dreg:$0x4] =	wrdreg $0x41000  }
0xb1: {  	[dreg:$0x5] =	wrdreg $0x9  }
0xb2: {  	_ =	task.clear_ibuf [dreg:s7], $0x6FFFF;
	_ =	strace $0x9000004C  }
0xb3: {  	s29 =	simm.s32 $0x9;
	_ =	strace $0x8000004E  }
0xb4: {  	_ =	swait.ge [sflag:s29], $0x1  }
0xb5: {  	[sflag:s29] =	ssyncadd.s32 $0xFFFFFFFF  }
0xb6: {  	_ =	strace $0x9000004E  }
0xb7: {  	_ =	sfence  }
0xb8: {  	s30 =	sld [smem:$0x0];
	_ =	sdelay $0x2  }
0xb9: {  	s31 =	sshll.u32 s1, $0xD;
	s1 =	sshrl.u32 s1, $0x2  }
0xba: {  	s3 =	sand.u32 $0x4000, s31;
	s1 =	sadd.s32 s1, s30  }
0xbb: {  	s0 =	sor.u32 s3, s0;
	s1 =	sshll.u32 s1, $0x11  }
0xbc: {  	s0 =	sor.u32 s1, s0  }
0xbd: {  	s0 =	sadd.s32 $0x8F2B, s0  }
0xbe: {  	[sflag:s0] =	ssyncadd.remote.s32 $0x1  }
0xbf: {  	_ =	sfence.sel $0xFFFF  }
0xc0: {  	[dreg:$0x0] =	wrdreg $0xFFFFFFFF;
	(pc) =	sbr.abs _section_cstart, $3  }
0xc1: {  	[dreg:$0x1] =	wrdreg $0xFFFFFFFF  }
0xc2: {  	_ =	task.clear_ibuf [dreg:s7], $0x2FFFF;
	_ =	strace $0x9FFFFFFF  }
0xc3: {  	(tm) =	ssettm $0x7FFFFFFF  }
tec
execute0_lowered:
.L_overlay_start_1:
0x0: {  	(tag) =	ssettag $0x1  }
0x1: {  	s5 =	rddreg [dreg:$0x0];
	s0 =	stileid.u32  }
0x2: {  	s9 =	rddreg [dreg:$0x1];
	s6 =	smul.u32 $0xA00, s0  }
0x3: {  	s1 =	srdreg.scid;
	s10 =	smul.u32 $0x14000, s0  }
0x4: {  	s2 =	rddreg [dreg:$0x2];
	s3 =	simm.s32 $0x0;
	s22 =	smul.u32 $0x50000, s0  }
0x5: {  	s7 =	sand.u32 $0x1, s1;
	s1 =	rddreg [dreg:$0x3];
	s26 =	smul.u32 $0x2800, s0  }
0x6: {  	[smem:$0x7FF] =	sst s3;
	s14 =	smul.u32 $0x5000, s0  }
0x7: {  	s4 =	sadd.s32 $0x17A00, s5;
	s29 =	sshll.u32 s0, $0x6;
	s8 =	smul.u32 $0x140000, s7  }
0x8: {  	_ =	strace $0x8000004D;
	s11 =	smul.u32 $0x50000, s7;
	s25 =	ssub.s32 $0x2, s7  }
0x9: {  	s24 =	smul.u32 $0x28000, s7;
	s12 =	sadd.s32 s6, s5;
	s7 =	sshrl.u32 s25, $0x1  }
0xa: {  	s6 =	sor.u32 $0x1C02, s29;
	s8 =	sadd.s32 s10, s8;
	s10 =	sshrl.u32 s22, $0x2  }
0xb: {  	s15 =	ssub.s32 s25, s7;
	s28 =	sadd.s32 s26, s24;
	s30 =	sadd.s32 s14, s11  }
0xc: {  	s14 =	simm.s32 $0x100;
	s23 =	sshrl.u32 s8, $0x3;
	s16 =	sadd.s32 s10, s2  }
0xd: {  	s31 =	sshrl.u32 s30, $0x3;
	s8 =	smax.u32 s15, $0x1;
	s10 =	sadd.s32 $0xDA00, s12  }
0xe: {  	s12 =	simm.s32 $0x2;
	s15 =	simm.s32 $0x1;
	s13 =	sadd.s32 s23, s5  }
0xf: {  	s5 =	sadd.s32 s4, s28;
	s9 =	sadd.s32 s31, s9;
	s11 =	sshrl.u32 s16, $0x3  }
0x10: {  	s16 =	simm.s32 $0x0;
	s7 =	sadd.s32 $0x67A00, s13;
	s13 =	simm.s32 $0x80  }
.LBB2_1:
0x11: {  	[spmem:s11], [sflag:s6] =	dma.local [hbm:s5], $0x2800  }
0x12: {  	_ =	swait.ge [sflag:s12], $0x2800  }
0x13: {  	[sflag:s12] =	ssyncset.done $0x0  }
0x14: {  	[sflag:s12] =	ssyncadd.s32 $0xFFFFD800  }
0x15: {  	s17 =	sadd.s32 $0x0, s9;
	[bflag:$0x0] =	sbarrier.arrive $0xFFFF  }
0x16: {  	[tilespmem:s3], [sflag:$0x2] =	stream.linear.gather [hbm4b:s17+s3], $0x80, $0x38;
	[tilespmem:$0x18100] =	vst v63  }
0x17: {  	_ =	swait.ge [sflag:s12], $0x80  }
0x18: {  	[sflag:s12] =	ssyncset.done $0x0  }
0x19: {  	s31 =	sadd.s32 $0x0, s10;
	[sflag:s12] =	ssyncadd.s32 $0xFFFFFF80  }
0x1a: {  	[tilespmem:s13], [sflag:$0x2] =	stream.linear.gather [hbm4b:s31+s3], $0x80, $0x38;
	[tilespmem:$0x18100] =	vst v63  }
0x1b: {  	_ =	swait.ge [sflag:s12], $0x80  }
0x1c: {  	[sflag:s12] =	ssyncset.done $0x0  }
0x1d: {  	[sflag:s12] =	ssyncadd.s32 $0xFFFFFF80  }
0x1e: {  	[tilespmem:s14], [sflag:$0x1] =	stream.indirect.gather [hbm4b:s4+s13], $0x80, s3, s13, $0xb8;
	[tilespmem:$0x18100] =	vst v63  }
0x1f: {  	_ =	swait.ge [sflag:s15], $0x4000  }
0x20: {  	[sflag:s15] =	ssyncset.done $0x0  }
0x21: {  	[sflag:s15] =	ssyncadd.s32 $0xFFFFC000  }
0x22: {  	[spmem:s2] =	stream.indirect.scatter.add.f32 [tilespmem:s14], [sflag:$0x2], $0x80, s13, s13, $0xb8;
	[tilespmem:$0x18100] =	vst v63  }
0x23: {  	_ =	swait.ge [sflag:s12], $0x4000  }
0x24: {  	s18 =	simm.s32 $0x20;
	s17 =	simm.s32 $0x10;
	[sflag:s12] =	ssyncset.done $0x0  }
.LBB2_2:
0x25: {  	s19 =	sadd.s32 s17, s9  }
0x26: {  	[sflag:s12] =	ssyncadd.s32 $0xFFFFC000;
	s20 =	smov.u32 s18;
	s21 =	sadd.s32 $0x10, s18  }
0x27: {  	[tilespmem:s3], [sflag:$0x2] =	stream.linear.gather [hbm4b:s19+s3], $0x80, $0x38;
	[tilespmem:$0x18100] =	vst v63  }
0x28: {  	p0 =	sne.s32 s18, $0x9F0;
	_ =	swait.ge [sflag:s12], $0x80  }
0x29: {  	[sflag:s12] =	ssyncset.done $0x0  }
0x2a: {  	s18 =	sadd.s32 s17, s10;
	s17 =	smov.u32 s20;
	[sflag:s12] =	ssyncadd.s32 $0xFFFFFF80  }
0x2b: {  	[tilespmem:s13], [sflag:$0x2] =	stream.linear.gather [hbm4b:s18+s3], $0x80, $0x38;
	[tilespmem:$0x18100] =	vst v63  }
0x2c: {  	_ =	swait.ge [sflag:s12], $0x80  }
0x2d: {  	[sflag:s12] =	ssyncset.done $0x0  }
0x2e: {  	[sflag:s12] =	ssyncadd.s32 $0xFFFFFF80  }
0x2f: {  	[tilespmem:s14], [sflag:$0x1] =	stream.indirect.gather [hbm4b:s4+s13], $0x80, s3, s13, $0xb8;
	[tilespmem:$0x18100] =	vst v63  }
0x30: {  	_ =	swait.ge [sflag:s15], $0x4000  }
.Ltmp0:
0x31: {  	[sflag:s15] =	ssyncset.done $0x0;
	(pc) =	sbr.rel @p0 .LBB2_2-.Ltmp0, $4  }
0x32: {  	[sflag:s15] =	ssyncadd.s32 $0xFFFFC000  }
0x33: {  	[spmem:s2] =	stream.indirect.scatter.add.f32 [tilespmem:s14], [sflag:$0x2], $0x80, s13, s13, $0xb8;
	[tilespmem:$0x18100] =	vst v63  }
0x34: {  	_ =	swait.ge [sflag:s12], $0x4000  }
0x35: {  	s18 =	smov.u32 s21;
	[sflag:s12] =	ssyncset.done $0x0  }
0x36: {  	s18 =	sadd.s32 s17, s9;
	[sflag:s12] =	ssyncadd.s32 $0xFFFFC000  }
0x37: {  	[tilespmem:s3], [sflag:$0x2] =	stream.linear.gather [hbm4b:s18+s3], $0x80, $0x38;
	[tilespmem:$0x18100] =	vst v63  }
0x38: {  	_ =	swait.ge [sflag:s12], $0x80  }
0x39: {  	[sflag:s12] =	ssyncset.done $0x0  }
0x3a: {  	s31 =	sadd.s32 s17, s10;
	[sflag:s12] =	ssyncadd.s32 $0xFFFFFF80  }
0x3b: {  	[tilespmem:s13], [sflag:$0x2] =	stream.linear.gather [hbm4b:s31+s3], $0x80, $0x38;
	[tilespmem:$0x18100] =	vst v63  }
0x3c: {  	_ =	swait.ge [sflag:s12], $0x80  }
0x3d: {  	[sflag:s12] =	ssyncset.done $0x0  }
0x3e: {  	[sflag:s12] =	ssyncadd.s32 $0xFFFFFF80  }
0x3f: {  	[tilespmem:s14], [sflag:$0x1] =	stream.indirect.gather [hbm4b:s4+s13], $0x80, s3, s13, $0xb8;
	[tilespmem:$0x18100] =	vst v63  }
0x40: {  	_ =	swait.ge [sflag:s15], $0x4000  }
0x41: {  	[sflag:s15] =	ssyncset.done $0x0  }
0x42: {  	[sflag:s15] =	ssyncadd.s32 $0xFFFFC000  }
0x43: {  	[spmem:s2] =	stream.indirect.scatter.add.f32 [tilespmem:s14], [sflag:$0x2], $0x80, s13, s13, $0xb8;
	[tilespmem:$0x18100] =	vst v63  }
0x44: {  	_ =	swait.ge [sflag:s12], $0x4000  }
0x45: {  	s16 =	sadd.s32 $0x1, s16;
	[sflag:s12] =	ssyncset.done $0x0  }
0x46: {  	p0 =	sne.s32 s16, s8;
	[sflag:s12] =	ssyncadd.s32 $0xFFFFC000  }
.Ltmp1:
0x47: {  	[bflag:$0x0] =	sbarrier.arrive $0xFFFF;
	(pc) =	sbr.rel @p0 .LBB2_1-.Ltmp1, $4  }
0x48: {  	[hbm:s7], [sflag:s6] =	dma.local [spmem:s11], $0x2800  }
0x49: {  	_ =	swait.ge [sflag:s12], $0x2800  }
0x4a: {  	[sflag:s12] =	ssyncset.done $0x0  }
0x4b: {  	[sflag:s12] =	ssyncadd.s32 $0xFFFFD800  }
0x4c: {  	_ =	sfence.sel $0x180000  }
0x4d: {  	[bflag:$0x0] =	sbarrier.arrive $0xFFFF  }
0x4e: {  	p0 =	sne.s32 s0, $0x0;
	_ =	strace $0x9000004D  }
0x4f: {  	s0 =	sadd.s32 @!p0 $0x100000, s1;
	[bflag:$0x2] =	sbarrier.arrive $0xFFFF  }
0x50: {  	[sflag:s0] =	ssyncadd.tile.s32 @!p0 $0x1;
	_ =	shalt  }
.Lfunc_end2:
_tile_overlayer_lowered:
.L_overlay_start_2:
0x51: {  	(tag) =	ssettag $0x2  }
0x52: {  	s0 =	rddreg [dreg:$0x0];
	s2 =	stileid.u32  }
0x53: {  	s1 =	rddreg [dreg:$0x1];
	p0 =	sne.s32 s2, $0x0  }
0x54: {  	s3 =	rddreg [dreg:$0x2];
	[bflag:$0x3] =	sbarrier.arrive $0xFFFF;
	s2 =	simm.s32 @!p0 $0x1C02  }
0x55: {  	[timem:s3], [sflag:s2] =	dma.local @!p0 [hbm:s0], s1  }
0x56: {  	s0 =	simm.s32 @!p0 $0x2  }
0x57: {  	_ =	swait.ge @!p0 [sflag:s0], s1  }
0x58: {  	s1 =	ssub.s32 @!p0 $0x0, s1;
	[sflag:s0] =	ssyncset.done @!p0 $0x0  }
0x59: {  	[sflag:s0] =	ssyncadd.s32 @!p0 s1  }
0x5a: {  	[bflag:$0x3] =	sbarrier.arrive $0xFFFF  }
0x5b: {  	_ =	shalt  }

// kernel: kernel.19.cloned.1.call-start
scs
__scs_entry_jumppad:
0x0: {  	(pc) =	sbr.rel $0x88, $3  }
0x1: {  	(tag) =	ssettag $0x0;
	lr =	simm.s32 $0x1  }
0x2: {  	[smem:$0x3F95] =	sst lr;
	_ =	strace $0xD0000000  }
0x3: {  	_ = 	snop  }
0x4: {  	_ = 	snop  }
0x5: {  	_ = 	snop  }
0x6: {  	_ = 	snop  }
0x7: {  	_ = 	snop  }
__scs_overlays_trampoline_lowered:
0x8: {  	[smem:$0x3FA4] =	sst s0  }
0x9: {  	[smem:$0x3FA5] =	sst s1  }
0xa: {  	[smem:$0x3FA6] =	sst s2  }
0xb: {  	[smem:$0x3FA7] =	sst s3  }
0xc: {  	[smem:$0x3FA8] =	sst s4  }
0xd: {  	[smem:$0x3FA9] =	sst s5  }
0xe: {  	[smem:$0x3FAA] =	sst s6  }
0xf: {  	[smem:$0x3FAB] =	sst s7  }
0x10: {  	[smem:$0x3FAC] =	sst s8  }
0x11: {  	[smem:$0x3FAD] =	sst s9;
	s0 =	simm.s32 @!p0 $0x0  }
0x12: {  	s1 =	sld [smem:$0x3F93];
	s0 =	simm.s32 @p0 $0x1  }
0x13: {  	[smem:$0x3FAE] =	sst s0;
	s0 =	simm.s32 @!p1 $0x0  }
0x14: {  	s2 =	sld [smem:$0x3F92];
	s0 =	simm.s32 @p1 $0x1  }
0x15: {  	[smem:$0x3FAF] =	sst s0;
	s0 =	simm.s32 @!p2 $0x0  }
0x16: {  	s3 =	sld [smem:$0x3FDB];
	s0 =	simm.s32 @p2 $0x1  }
0x17: {  	s4 =	simm.s32 $0x1BF5;
	[smem:$0x3FB1] =	sst s0  }
0x18: {  	s0 =	sld [smem:$0x3F94];
	_ =	swait.ge [sflag:s4], $0x0  }
0x19: {  	s7 =	sld [smem:$0x3F95]  }
0x1a: {  	s8 =	sadd.s32 $0xFFFFE003, lr  }
0x1b: {  	s9 =	sadd.s32 $0xFFFFFEF7, lr;
	s5 =	simm.s32 $0xFFFFFFFF;
	p2 =	slt.u32 s8, $0xFFFFF086  }
0x1c: {  	p1 =	slt.u32 s9, $0xF7A;
	s5 =	simm.s32 @!p2 $0x0  }
0x1d: {  	s5 =	simm.s32 @p1 $0x1;
	p0 =	seq.s32 s7, s2  }
0x1e: {  	s7 =	smul.u32 @!p0 $0xF7A, s2;
	p2 =	seq.s32 @!p0 s5, $0x0  }
0x1f: {  	s9 =	smul.u32 $0xF7A, s1;
	s8 =	simm.s32 @!p0 $0x1BF5;
	p2 =	por !p2, p0  }
0x20: {  	[sflag:s8] =	ssyncset.s32 @!p0 $0xFFFFF086;
	s6 =	sadd.s32 @!p0 s3, s7;
	s7 =	simm.s32 @!p0 $0x108  }
0x21: {  	s3 =	sadd.s32 s3, s9;
	s6 =	sadd.s32 @!p0 $0x88, s6;
	s7 =	simm.s32 @p2 $0x1082  }
0x22: {  	[simem:s7], [sflag:s8] =	dma.local @!p0 [hbm:s6], $0xF7A  }
0x23: {  	s9 =	sor.u32 $0xD0000000, s2;
	s6 =	simm.s32 $0x108;
	_ =	swait.ge @!p0 [sflag:s8], $0x0  }
0x24: {  	s3 =	sadd.s32 $0x88, s3;
	s6 =	simm.s32 @!p1 $0x1082;
	[sflag:s4] =	ssyncset.s32 $0xFFFFF086  }
0x25: {  	[simem:s6], [sflag:s4] =	dma.local [hbm:s3], $0xF7A  }
0x26: {  	[smem:$0x3F95] =	sst s1;
	(tag) =	ssettag s2;
	_ =	strace s9  }
0x27: {  	s1 =	sld [smem:$0x3FA5]  }
0x28: {  	s2 =	sld [smem:$0x3FA6]  }
0x29: {  	s4 =	sld [smem:$0x3FA8]  }
0x2a: {  	p0 =	seq.s32 s5, $0x0;
	s5 =	sld [smem:$0x3FA9]  }
0x2b: {  	s6 =	sld [smem:$0x3FAA]  }
0x2c: {  	s7 =	sld [smem:$0x3FAB]  }
0x2d: {  	s3 =	simm.s32 $0x108;
	s8 =	sld [smem:$0x3FAC]  }
0x2e: {  	s3 =	simm.s32 @!p0 $0x1082;
	s9 =	sld [smem:$0x3FAD]  }
0x2f: {  	lr =	sadd.s32 s0, s3;
	s0 =	sld [smem:$0x3FA4]  }
0x30: {  	s3 =	sld [smem:$0x3FA7]  }
0x31: {  	[smem:$0x3FB0] =	sst s10  }
0x32: {  	s10 =	sld [smem:$0x3FAE];
	_ =	sdelay $0x3  }
0x33: {  	p0 =	seq.s32 s10, $0x1;
	s10 =	sld [smem:$0x3FB0];
	_ =	sdelay $0x3  }
0x34: {  	[smem:$0x3FB0] =	sst s10  }
0x35: {  	s10 =	sld [smem:$0x3FAF];
	_ =	sdelay $0x3  }
0x36: {  	p1 =	seq.s32 s10, $0x1;
	s10 =	sld [smem:$0x3FB0];
	_ =	sdelay $0x3  }
0x37: {  	[smem:$0x3FB0] =	sst s10  }
0x38: {  	s10 =	sld [smem:$0x3FB1]  }
0x39: {  	_ = 	snop;
	(pc) =	sbr.ind lr, $3  }
0x3a: {  	_ = 	snop  }
0x3b: {  	_ = 	snop  }
0x3c: {  	p2 =	seq.s32 s10, $0x1;
	s10 =	sld [smem:$0x3FB0]  }
0x3d: {  	_ =	shalt  }
0x3e: {  	_ =	shalt  }
0x3f: {  	_ =	shalt  }
0x40: {  	_ =	shalt  }
0x41: {  	_ =	shalt  }
0x42: {  	_ =	shalt  }
0x43: {  	_ =	shalt  }
0x44: {  	_ =	shalt  }
0x45: {  	_ =	shalt  }
0x46: {  	_ =	shalt  }
0x47: {  	_ =	shalt  }
0x48: {  	_ =	shalt  }
0x49: {  	_ =	shalt  }
0x4a: {  	_ =	shalt  }
0x4b: {  	_ =	shalt  }
0x4c: {  	_ =	shalt  }
0x4d: {  	_ =	shalt  }
0x4e: {  	_ =	shalt  }
0x4f: {  	_ =	shalt  }
0x50: {  	_ =	shalt  }
0x51: {  	_ =	shalt  }
0x52: {  	_ =	shalt  }
0x53: {  	_ =	shalt  }
0x54: {  	_ =	shalt  }
0x55: {  	_ =	shalt  }
0x56: {  	_ =	shalt  }
0x57: {  	_ =	shalt  }
0x58: {  	_ =	shalt  }
0x59: {  	_ =	shalt  }
0x5a: {  	_ =	shalt  }
0x5b: {  	_ =	shalt  }
0x5c: {  	_ =	shalt  }
0x5d: {  	_ =	shalt  }
0x5e: {  	_ =	shalt  }
0x5f: {  	_ =	shalt  }
0x60: {  	_ =	shalt  }
0x61: {  	_ =	shalt  }
0x62: {  	_ =	shalt  }
0x63: {  	_ =	shalt  }
0x64: {  	_ =	shalt  }
0x65: {  	_ =	shalt  }
0x66: {  	_ =	shalt  }
0x67: {  	_ =	shalt  }
0x68: {  	_ =	shalt  }
0x69: {  	_ =	shalt  }
0x6a: {  	_ =	shalt  }
0x6b: {  	_ =	shalt  }
0x6c: {  	_ =	shalt  }
0x6d: {  	_ =	shalt  }
0x6e: {  	_ =	shalt  }
0x6f: {  	_ =	shalt  }
0x70: {  	_ =	shalt  }
0x71: {  	_ =	shalt  }
0x72: {  	_ =	shalt  }
0x73: {  	_ =	shalt  }
0x74: {  	_ =	shalt  }
0x75: {  	_ =	shalt  }
0x76: {  	_ =	shalt  }
0x77: {  	_ =	shalt  }
0x78: {  	_ =	shalt  }
0x79: {  	_ =	shalt  }
0x7a: {  	_ =	shalt  }
0x7b: {  	_ =	shalt  }
0x7c: {  	_ =	shalt  }
0x7d: {  	_ =	shalt  }
0x7e: {  	_ =	shalt  }
0x7f: {  	_ =	shalt  }
0x80: {  	_ =	shalt  }
0x81: {  	_ =	shalt  }
0x82: {  	_ =	shalt  }
0x83: {  	_ =	shalt  }
0x84: {  	_ =	shalt  }
0x85: {  	_ =	shalt  }
0x86: {  	_ =	shalt  }
0x87: {  	_ =	shalt  }
.Lfunc_end0:
.L_simem_size_0:
called_computation.3_lowered:
.L_overlay_start_0:
0x88: {  	s2 =	sld [smem:$0x3FD9]  }
0x89: {  	s3 =	sld [smem:$0x3FFE];
	_ =	sdelay $0x1  }
0x8a: {  	s1 =	srdreg.scid  }
0x8b: {  	s0 =	sand.u32 $0x1, s1  }
0x8c: {  	s17 =	sshll.u32 s0, $0xA;
	s2 =	sadd.s32 s3, s2  }
0x8d: {  	s2 =	sadd.s32 s2, s17  }
0x8e: {  	[smem:$0x3FBC] =	sst s2  }
0x8f: {  	_ = 	snop  }
0x90: {  	s2 =	sld [smem:$0x3FD0];
	(tm) =	ssettm $0x1  }
0x91: {  	s18 =	sld [smem:$0x3FFB];
	_ =	sdelay $0x3  }
0x92: {  	_ =	strace s18  }
0x93: {  	s3 =	sld [smem:$0x3FFC];
	_ =	sdelay $0x3  }
0x94: {  	_ =	strace s3  }
0x95: {  	s3 =	sld [smem:$0x3FFD];
	_ =	sdelay $0x3  }
0x96: {  	_ =	strace s3  }
0x97: {  	_ =	strace $0x8FFFFFFF  }
0x98: {  	s19 =	sld [smem:$0x3FDB];
	_ =	sdelay $0x1  }
0x99: {  	s4 =	simm.s32 $_scs_section_size  }
0x9a: {  	s5 =	simm.s32 $_size__tile_overlayer_lowered;
	s6 =	simm.s32 $_tile_overlayer_lowered  }
0x9b: {  	s22 =	simm.s32 $0x1BFF;
	s21 =	sshll.u32 s6, $0x1;
	s3 =	sadd.s32 s4, s19  }
0x9c: {  	s7 =	simm.s32 $0x0;
	s20 =	sshll.u32 s5, $0x1;
	s5 =	sadd.s32 s21, s3  }
0x9d: {  	[timem:s7], [sflag:s22] =	dma.local [hbm:s5], s20  }
0x9e: {  	_ =	swait.ge [sflag:s22], s20  }
0x9f: {  	s4 =	ssub.s32 $0x0, s20;
	[sflag:s22] =	ssyncset.done $0x0  }
0xa0: {  	[sflag:s22] =	ssyncadd.s32 s4;
	_ =	sdelay $0x1  }
0xa1: {  	s23 =	simm.s32 $0x1B8B  }
0xa2: {  	_ =	swait.ge [sflag:s23], $0x1  }
0xa3: {  	[sflag:s23] =	ssyncset.done $0x0  }
0xa4: {  	s25 =	simm.s32 $0x1B8E;
	s24 =	sld [smem:$0x3FFE];
	[sflag:s23] =	ssyncadd.s32 $0xFFFFFFFF  }
0xa5: {  	s26 =	simm.s32 $execute0_lowered;
	[smem:$0x3FD2] =	sst s25  }
0xa6: {  	s5 =	sshll.u32 s26, $0x1;
	_ =	strace $0x8000004F;
	[dreg:$0x1] =	wrdreg $0xFFFFFFFF  }
0xa7: {  	s28 =	simm.s32 $_size_execute0_lowered;
	s3 =	sadd.s32 s3, s5;
	[dreg:$0x0] =	wrdreg $0x0  }
0xa8: {  	s5 =	sshll.u32 s28, $0x1;
	[dreg:$0x2] =	wrdreg s3  }
0xa9: {  	[dreg:$0x3] =	wrdreg s5  }
0xaa: {  	[dreg:$0x4] =	wrdreg $0xC0  }
0xab: {  	_ =	task [dreg:s7], $0x5FFFF  }
0xac: {  	[dreg:$0x1] =	wrdreg $0xFFFFFFFF  }
0xad: {  	[dreg:$0x0] =	wrdreg $0x60  }
0xae: {  	[dreg:$0x2] =	wrdreg s24  }
0xaf: {  	[dreg:$0x3] =	wrdreg s2  }
0xb0: {  	[dreg:$0x4] =	wrdreg $0x41000  }
0xb1: {  	[dreg:$0x5] =	wrdreg $0x9  }
0xb2: {  	_ =	task.clear_ibuf [dreg:s7], $0x6FFFF;
	_ =	strace $0x9000004F  }
0xb3: {  	s29 =	simm.s32 $0x9;
	_ =	strace $0x80000051  }
0xb4: {  	_ =	swait.ge [sflag:s29], $0x1  }
0xb5: {  	[sflag:s29] =	ssyncadd.s32 $0xFFFFFFFF  }
0xb6: {  	_ =	strace $0x90000051  }
0xb7: {  	_ =	sfence  }
0xb8: {  	s30 =	sld [smem:$0x0];
	_ =	sdelay $0x2  }
0xb9: {  	s31 =	sshll.u32 s1, $0xD;
	s1 =	sshrl.u32 s1, $0x2  }
0xba: {  	s3 =	sand.u32 $0x4000, s31;
	s1 =	sadd.s32 s1, s30  }
0xbb: {  	s0 =	sor.u32 s3, s0;
	s1 =	sshll.u32 s1, $0x11  }
0xbc: {  	s0 =	sor.u32 s1, s0  }
0xbd: {  	s0 =	sadd.s32 $0x8F2B, s0  }
0xbe: {  	[sflag:s0] =	ssyncadd.remote.s32 $0x1  }
0xbf: {  	_ =	sfence.sel $0xFFFF  }
0xc0: {  	[dreg:$0x0] =	wrdreg $0xFFFFFFFF;
	(pc) =	sbr.abs _section_cstart, $3  }
0xc1: {  	[dreg:$0x1] =	wrdreg $0xFFFFFFFF  }
0xc2: {  	_ =	task.clear_ibuf [dreg:s7], $0x2FFFF;
	_ =	strace $0x9FFFFFFF  }
0xc3: {  	(tm) =	ssettm $0x7FFFFFFF  }
tec
execute0_lowered:
.L_overlay_start_1:
0x0: {  	(tag) =	ssettag $0x1  }
0x1: {  	s5 =	rddreg [dreg:$0x0];
	s0 =	stileid.u32  }
0x2: {  	s9 =	rddreg [dreg:$0x1];
	s6 =	smul.u32 $0xA00, s0  }
0x3: {  	s1 =	srdreg.scid;
	s10 =	smul.u32 $0x14000, s0  }
0x4: {  	s2 =	rddreg [dreg:$0x2];
	s3 =	simm.s32 $0x0;
	s22 =	smul.u32 $0x50000, s0  }
0x5: {  	s7 =	sand.u32 $0x1, s1;
	s1 =	rddreg [dreg:$0x3];
	s26 =	smul.u32 $0x2800, s0  }
0x6: {  	[smem:$0x7FF] =	sst s3;
	s14 =	smul.u32 $0x5000, s0  }
0x7: {  	s4 =	sadd.s32 $0x17A00, s5;
	s29 =	sshll.u32 s0, $0x6;
	s8 =	smul.u32 $0x140000, s7  }
0x8: {  	_ =	strace $0x80000050;
	s11 =	smul.u32 $0x50000, s7;
	s25 =	ssub.s32 $0x2, s7  }
0x9: {  	s24 =	smul.u32 $0x28000, s7;
	s12 =	sadd.s32 s6, s5;
	s7 =	sshrl.u32 s25, $0x1  }
0xa: {  	s6 =	sor.u32 $0x1C02, s29;
	s8 =	sadd.s32 s10, s8;
	s10 =	sshrl.u32 s22, $0x2  }
0xb: {  	s15 =	ssub.s32 s25, s7;
	s28 =	sadd.s32 s26, s24;
	s30 =	sadd.s32 s14, s11  }
0xc: {  	s14 =	simm.s32 $0x100;
	s23 =	sshrl.u32 s8, $0x3;
	s16 =	sadd.s32 s10, s2  }
0xd: {  	s31 =	sshrl.u32 s30, $0x3;
	s8 =	smax.u32 s15, $0x1;
	s10 =	sadd.s32 $0xDA00, s12  }
0xe: {  	s12 =	simm.s32 $0x2;
	s15 =	simm.s32 $0x1;
	s13 =	sadd.s32 s23, s5  }
0xf: {  	s5 =	sadd.s32 s4, s28;
	s9 =	sadd.s32 s31, s9;
	s11 =	sshrl.u32 s16, $0x3  }
0x10: {  	s16 =	simm.s32 $0x0;
	s7 =	sadd.s32 $0x67A00, s13;
	s13 =	simm.s32 $0x80  }
.LBB2_1:
0x11: {  	[spmem:s11], [sflag:s6] =	dma.local [hbm:s5], $0x2800  }
0x12: {  	_ =	swait.ge [sflag:s12], $0x2800  }
0x13: {  	[sflag:s12] =	ssyncset.done $0x0  }
0x14: {  	[sflag:s12] =	ssyncadd.s32 $0xFFFFD800  }
0x15: {  	s17 =	sadd.s32 $0x0, s9;
	[bflag:$0x0] =	sbarrier.arrive $0xFFFF  }
0x16: {  	[tilespmem:s3], [sflag:$0x2] =	stream.linear.gather [hbm4b:s17+s3], $0x80, $0x38;
	[tilespmem:$0x18100] =	vst v63  }
0x17: {  	_ =	swait.ge [sflag:s12], $0x80  }
0x18: {  	[sflag:s12] =	ssyncset.done $0x0  }
0x19: {  	s31 =	sadd.s32 $0x0, s10;
	[sflag:s12] =	ssyncadd.s32 $0xFFFFFF80  }
0x1a: {  	[tilespmem:s13], [sflag:$0x2] =	stream.linear.gather [hbm4b:s31+s3], $0x80, $0x38;
	[tilespmem:$0x18100] =	vst v63  }
0x1b: {  	_ =	swait.ge [sflag:s12], $0x80  }
0x1c: {  	[sflag:s12] =	ssyncset.done $0x0  }
0x1d: {  	[sflag:s12] =	ssyncadd.s32 $0xFFFFFF80  }
0x1e: {  	[tilespmem:s14], [sflag:$0x1] =	stream.indirect.gather [hbm4b:s4+s13], $0x80, s3, s13, $0xb8;
	[tilespmem:$0x18100] =	vst v63  }
0x1f: {  	_ =	swait.ge [sflag:s15], $0x4000  }
0x20: {  	[sflag:s15] =	ssyncset.done $0x0  }
0x21: {  	[sflag:s15] =	ssyncadd.s32 $0xFFFFC000  }
0x22: {  	[spmem:s2] =	stream.indirect.scatter.add.f32 [tilespmem:s14], [sflag:$0x2], $0x80, s13, s13, $0xb8;
	[tilespmem:$0x18100] =	vst v63  }
0x23: {  	_ =	swait.ge [sflag:s12], $0x4000  }
0x24: {  	s18 =	simm.s32 $0x20;
	s17 =	simm.s32 $0x10;
	[sflag:s12] =	ssyncset.done $0x0  }
.LBB2_2:
0x25: {  	s19 =	sadd.s32 s17, s9  }
0x26: {  	[sflag:s12] =	ssyncadd.s32 $0xFFFFC000;
	s20 =	smov.u32 s18;
	s21 =	sadd.s32 $0x10, s18  }
0x27: {  	[tilespmem:s3], [sflag:$0x2] =	stream.linear.gather [hbm4b:s19+s3], $0x80, $0x38;
	[tilespmem:$0x18100] =	vst v63  }
0x28: {  	p0 =	sne.s32 s18, $0x9F0;
	_ =	swait.ge [sflag:s12], $0x80  }
0x29: {  	[sflag:s12] =	ssyncset.done $0x0  }
0x2a: {  	s18 =	sadd.s32 s17, s10;
	s17 =	smov.u32 s20;
	[sflag:s12] =	ssyncadd.s32 $0xFFFFFF80  }
0x2b: {  	[tilespmem:s13], [sflag:$0x2] =	stream.linear.gather [hbm4b:s18+s3], $0x80, $0x38;
	[tilespmem:$0x18100] =	vst v63  }
0x2c: {  	_ =	swait.ge [sflag:s12], $0x80  }
0x2d: {  	[sflag:s12] =	ssyncset.done $0x0  }
0x2e: {  	[sflag:s12] =	ssyncadd.s32 $0xFFFFFF80  }
0x2f: {  	[tilespmem:s14], [sflag:$0x1] =	stream.indirect.gather [hbm4b:s4+s13], $0x80, s3, s13, $0xb8;
	[tilespmem:$0x18100] =	vst v63  }
0x30: {  	_ =	swait.ge [sflag:s15], $0x4000  }
.Ltmp0:
0x31: {  	[sflag:s15] =	ssyncset.done $0x0;
	(pc) =	sbr.rel @p0 .LBB2_2-.Ltmp0, $4  }
0x32: {  	[sflag:s15] =	ssyncadd.s32 $0xFFFFC000  }
0x33: {  	[spmem:s2] =	stream.indirect.scatter.add.f32 [tilespmem:s14], [sflag:$0x2], $0x80, s13, s13, $0xb8;
	[tilespmem:$0x18100] =	vst v63  }
0x34: {  	_ =	swait.ge [sflag:s12], $0x4000  }
0x35: {  	s18 =	smov.u32 s21;
	[sflag:s12] =	ssyncset.done $0x0  }
0x36: {  	s18 =	sadd.s32 s17, s9;
	[sflag:s12] =	ssyncadd.s32 $0xFFFFC000  }
0x37: {  	[tilespmem:s3], [sflag:$0x2] =	stream.linear.gather [hbm4b:s18+s3], $0x80, $0x38;
	[tilespmem:$0x18100] =	vst v63  }
0x38: {  	_ =	swait.ge [sflag:s12], $0x80  }
0x39: {  	[sflag:s12] =	ssyncset.done $0x0  }
0x3a: {  	s31 =	sadd.s32 s17, s10;
	[sflag:s12] =	ssyncadd.s32 $0xFFFFFF80  }
0x3b: {  	[tilespmem:s13], [sflag:$0x2] =	stream.linear.gather [hbm4b:s31+s3], $0x80, $0x38;
	[tilespmem:$0x18100] =	vst v63  }
0x3c: {  	_ =	swait.ge [sflag:s12], $0x80  }
0x3d: {  	[sflag:s12] =	ssyncset.done $0x0  }
0x3e: {  	[sflag:s12] =	ssyncadd.s32 $0xFFFFFF80  }
0x3f: {  	[tilespmem:s14], [sflag:$0x1] =	stream.indirect.gather [hbm4b:s4+s13], $0x80, s3, s13, $0xb8;
	[tilespmem:$0x18100] =	vst v63  }
0x40: {  	_ =	swait.ge [sflag:s15], $0x4000  }
0x41: {  	[sflag:s15] =	ssyncset.done $0x0  }
0x42: {  	[sflag:s15] =	ssyncadd.s32 $0xFFFFC000  }
0x43: {  	[spmem:s2] =	stream.indirect.scatter.add.f32 [tilespmem:s14], [sflag:$0x2], $0x80, s13, s13, $0xb8;
	[tilespmem:$0x18100] =	vst v63  }
0x44: {  	_ =	swait.ge [sflag:s12], $0x4000  }
0x45: {  	s16 =	sadd.s32 $0x1, s16;
	[sflag:s12] =	ssyncset.done $0x0  }
0x46: {  	p0 =	sne.s32 s16, s8;
	[sflag:s12] =	ssyncadd.s32 $0xFFFFC000  }
.Ltmp1:
0x47: {  	[bflag:$0x0] =	sbarrier.arrive $0xFFFF;
	(pc) =	sbr.rel @p0 .LBB2_1-.Ltmp1, $4  }
0x48: {  	[hbm:s7], [sflag:s6] =	dma.local [spmem:s11], $0x2800  }
0x49: {  	_ =	swait.ge [sflag:s12], $0x2800  }
0x4a: {  	[sflag:s12] =	ssyncset.done $0x0  }
0x4b: {  	[sflag:s12] =	ssyncadd.s32 $0xFFFFD800  }
0x4c: {  	_ =	sfence.sel $0x180000  }
0x4d: {  	[bflag:$0x0] =	sbarrier.arrive $0xFFFF  }
0x4e: {  	p0 =	sne.s32 s0, $0x0;
	_ =	strace $0x90000050  }
0x4f: {  	s0 =	sadd.s32 @!p0 $0x100000, s1;
	[bflag:$0x2] =	sbarrier.arrive $0xFFFF  }
0x50: {  	[sflag:s0] =	ssyncadd.tile.s32 @!p0 $0x1;
	_ =	shalt  }
.Lfunc_end2:
_tile_overlayer_lowered:
.L_overlay_start_2:
0x51: {  	(tag) =	ssettag $0x2  }
0x52: {  	s0 =	rddreg [dreg:$0x0];
	s2 =	stileid.u32  }
0x53: {  	s1 =	rddreg [dreg:$0x1];
	p0 =	sne.s32 s2, $0x0  }
0x54: {  	s3 =	rddreg [dreg:$0x2];
	[bflag:$0x3] =	sbarrier.arrive $0xFFFF;
	s2 =	simm.s32 @!p0 $0x1C02  }
0x55: {  	[timem:s3], [sflag:s2] =	dma.local @!p0 [hbm:s0], s1  }
0x56: {  	s0 =	simm.s32 @!p0 $0x2  }
0x57: {  	_ =	swait.ge @!p0 [sflag:s0], s1  }
0x58: {  	s1 =	ssub.s32 @!p0 $0x0, s1;
	[sflag:s0] =	ssyncset.done @!p0 $0x0  }
0x59: {  	[sflag:s0] =	ssyncadd.s32 @!p0 s1  }
0x5a: {  	[bflag:$0x3] =	sbarrier.arrive $0xFFFF  }
0x5b: {  	_ =	shalt  }

</sc_bundles>
